<compile_context>
chip_gen: v7x
topology: tpu7x:2x2x1
jax: 0.10.2.dev20260603
libtpu: 0.0.44.dev20260713+nightly
codegen_flags: <defaults>
</compile_context>

<pallas_src>
import functools

import jax
import jax.numpy as jnp
from jax import lax
from jax.experimental import pallas as pl
from jax.experimental.pallas import tpu as pltpu
from jax.experimental.pallas import tpu_sc as plsc

B = 16384
F = 64
_NC = 2
_NS = 16
_NW = _NC * _NS
_BPW = B // _NW
_CHUNK = 128
_NCHUNK = _BPW // _CHUNK


def _sc_gather_body(uid_hbm, iid_hbm, pt_hbm, qt_hbm, ut_hbm, vt_hbm,
                    pm_hbm, qm_hbm, um_hbm, vm_hbm,
                    uid_v, iid_v, rp, rq, ru, rv, sp, sq, su, sv):
    wid = lax.axis_index("s") * _NC + lax.axis_index("c")
    crow = wid * _NCHUNK
    pltpu.sync_copy(uid_hbm.at[pl.ds(crow, _NCHUNK)], uid_v)
    pltpu.sync_copy(iid_hbm.at[pl.ds(crow, _NCHUNK)], iid_v)
    for k in range(_NCHUNK):
        cp = pltpu.async_copy(pt_hbm.at[uid_v.at[k]], rp, sp)
        cq = pltpu.async_copy(qt_hbm.at[iid_v.at[k]], rq, sq)
        cu = pltpu.async_copy(ut_hbm.at[uid_v.at[k]], ru, su)
        cv = pltpu.async_copy(vt_hbm.at[iid_v.at[k]], rv, sv)
        base = (crow + k) * _CHUNK
        cp.wait()
        pltpu.sync_copy(rp, pm_hbm.at[pl.ds(base, _CHUNK)])
        cq.wait()
        pltpu.sync_copy(rq, qm_hbm.at[pl.ds(base, _CHUNK)])
        cu.wait()
        pltpu.sync_copy(ru, um_hbm.at[pl.ds(base, _CHUNK)])
        cv.wait()
        pltpu.sync_copy(rv, vm_hbm.at[pl.ds(base, _CHUNK)])


_sc_gather = functools.partial(
    pl.kernel,
    mesh=plsc.VectorSubcoreMesh(core_axis_name="c", subcore_axis_name="s"),
    compiler_params=pltpu.CompilerParams(use_tc_tiling_on_sc=False),
    out_type=[jax.ShapeDtypeStruct((B, F), jnp.float32)] * 4,
    scratch_types=[
        pltpu.VMEM((_NCHUNK, _CHUNK), jnp.int32),
        pltpu.VMEM((_NCHUNK, _CHUNK), jnp.int32),
        pltpu.VMEM((_CHUNK, F), jnp.float32),
        pltpu.VMEM((_CHUNK, F), jnp.float32),
        pltpu.VMEM((_CHUNK, F), jnp.float32),
        pltpu.VMEM((_CHUNK, F), jnp.float32),
        pltpu.SemaphoreType.DMA,
        pltpu.SemaphoreType.DMA,
        pltpu.SemaphoreType.DMA,
        pltpu.SemaphoreType.DMA,
    ],
)(_sc_gather_body)


_BM = 2048


def _mlp_body(pm, qm, um, vm, w1a, w1b, b1, w2, b2, w3, b3, wpg, wph, bp, out):
    f32 = jnp.float32
    h = (jnp.dot(um[...], w1a[...], preferred_element_type=f32)
         + jnp.dot(vm[...], w1b[...], preferred_element_type=f32) + b1[...])
    h = jnp.maximum(h, 0.0)
    h = jnp.dot(h, w2[...], preferred_element_type=f32) + b2[...]
    h = jnp.maximum(h, 0.0)
    h = jnp.dot(h, w3[...], preferred_element_type=f32) + b3[...]
    h = jnp.maximum(h, 0.0)
    g = pm[...] * qm[...]
    z = (jnp.dot(g, wpg[...], preferred_element_type=f32)
         + jnp.dot(h, wph[...], preferred_element_type=f32) + bp[...])
    out[...] = 1.0 / (1.0 + jnp.exp(-z))


def _mlp_call(pm, qm, um, vm, w1a, w1b, b1, w2, b2, w3, b3, wpg, wph, bp):
    bm_spec = pl.BlockSpec((_BM, F), lambda i: (i, 0))
    full = lambda r, c: pl.BlockSpec((r, c), lambda i: (0, 0))
    return pl.pallas_call(
        _mlp_body,
        grid=(B // _BM,),
        in_specs=[
            bm_spec, bm_spec, bm_spec, bm_spec,
            full(F, 128), full(F, 128), full(1, 128),
            full(128, 64), full(1, 64),
            full(64, 32), full(1, 32),
            full(F, 1), full(32, 1), full(1, 1),
        ],
        out_specs=pl.BlockSpec((_BM, 1), lambda i: (i, 0)),
        out_shape=jax.ShapeDtypeStruct((B, 1), jnp.float32),
    )(pm, qm, um, vm, w1a, w1b, b1, w2, b2, w3, b3, wpg, wph, bp)


def kernel(user_id, item_id, Pt, Qt, Ut, Vt, W1, b1, W2, b2, W3, b3, Wp, bp):
    uid = user_id.astype(jnp.int32).reshape(B // _CHUNK, _CHUNK)
    iid = item_id.astype(jnp.int32).reshape(B // _CHUNK, _CHUNK)
    pm, qm, um, vm = _sc_gather(uid, iid, Pt, Qt, Ut, Vt)
    return _mlp_call(
        pm, qm, um, vm,
        W1[:F], W1[F:], b1.reshape(1, 128),
        W2, b2.reshape(1, 64),
        W3, b3.reshape(1, 32),
        Wp[:F], Wp[F:], bp.reshape(1, 1),
    )

# --- scband reference (transcript-rebuilt; emitter-appended) ---
"""Pipeline reference for scband-ncf-12043088298272 (READ-ONLY COPY).

The authoritative reference and input builder live on the scoring server;
editing this copy changes nothing except your own understanding.
"""

import jax, jax.numpy as jnp
import numpy as np

B = 16384
NU = 100000
NI = 100000
F = 64
# nums_hiddens after insert(0, 2*F): [128, 128, 64, 32]

def setup_inputs(seed: int = 0) -> dict:
    key = jax.random.key(seed)
    ks = jax.random.split(key, 16)
    user_id = jax.random.randint(ks[0], (B,), 0, NU)
    item_id = jax.random.randint(ks[1], (B,), 0, NI)
    Pt = jax.random.normal(ks[2], (NU, F), dtype=jnp.float32) * 0.02
    Qt = jax.random.normal(ks[3], (NI, F), dtype=jnp.float32) * 0.02
    Ut = jax.random.normal(ks[4], (NU, F), dtype=jnp.float32) * 0.02
    Vt = jax.random.normal(ks[5], (NI, F), dtype=jnp.float32) * 0.02
    W1 = jax.random.normal(ks[6], (2 * F, 128), dtype=jnp.float32) * 0.02
    b1 = jnp.zeros((128,), dtype=jnp.float32)
    W2 = jax.random.normal(ks[7], (128, 64), dtype=jnp.float32) * 0.02
    b2 = jnp.zeros((64,), dtype=jnp.float32)
    W3 = jax.random.normal(ks[8], (64, 32), dtype=jnp.float32) * 0.02
    b3 = jnp.zeros((32,), dtype=jnp.float32)
    Wp = jax.random.normal(ks[9], (F + 32, 1), dtype=jnp.float32) * 0.02
    bp = jnp.zeros((1,), dtype=jnp.float32)
    return {"user_id": user_id, "item_id": item_id, "Pt": Pt, "Qt": Qt, "Ut": Ut, "Vt": Vt,
            "W1": W1, "b1": b1, "W2": W2, "b2": b2, "W3": W3, "b3": b3, "Wp": Wp, "bp": bp}


def reference(user_id, item_id, Pt, Qt, Ut, Vt, W1, b1, W2, b2, W3, b3, Wp, bp):
    # GMF branch: elementwise product of MF embeddings
    p_mf = jnp.take(Pt, user_id, axis=0)
    q_mf = jnp.take(Qt, item_id, axis=0)
    gmf = p_mf * q_mf
    # MLP branch: concat MLP embeddings, run through Linear+ReLU stack
    p_mlp = jnp.take(Ut, user_id, axis=0)
    q_mlp = jnp.take(Vt, item_id, axis=0)
    h = jnp.concatenate([p_mlp, q_mlp], axis=1)
    h = jax.nn.relu(h @ W1 + b1)
    h = jax.nn.relu(h @ W2 + b2)
    h = jax.nn.relu(h @ W3 + b3)
    con_res = jnp.concatenate([gmf, h], axis=1)
    prediction = con_res @ Wp + bp
    return jax.nn.sigmoid(prediction)

if __name__ == "__main__":
    import jax
    _d = setup_inputs()
    print(jax.jit(kernel)(*tuple(_d.values())))

</pallas_src>

<mosaic_0001>
#map = affine_map<(d0, d1) -> (0, 0)>
module attributes {stable_mosaic.version = 14 : i64} {
  func.func @_sc_gather_body(%arg0: i32, %arg1: i32, %arg2: memref<128x128xi32, #tpu.memory_space<hbm>>, %arg3: memref<128x128xi32, #tpu.memory_space<hbm>>, %arg4: memref<100000x64xf32, #tpu.memory_space<hbm>>, %arg5: memref<100000x64xf32, #tpu.memory_space<hbm>>, %arg6: memref<100000x64xf32, #tpu.memory_space<hbm>>, %arg7: memref<100000x64xf32, #tpu.memory_space<hbm>>, %arg8: memref<16384x64xf32, #tpu.memory_space<hbm>>, %arg9: memref<16384x64xf32, #tpu.memory_space<hbm>>, %arg10: memref<16384x64xf32, #tpu.memory_space<hbm>>, %arg11: memref<16384x64xf32, #tpu.memory_space<hbm>>, %arg12: memref<4x128xi32, #tpu.memory_space<vmem>>, %arg13: memref<4x128xi32, #tpu.memory_space<vmem>>, %arg14: memref<128x64xf32, #tpu.memory_space<vmem>>, %arg15: memref<128x64xf32, #tpu.memory_space<vmem>>, %arg16: memref<128x64xf32, #tpu.memory_space<vmem>>, %arg17: memref<128x64xf32, #tpu.memory_space<vmem>>, %arg18: memref<!tpu.dma_semaphore, #tpu.memory_space<semaphore_mem>>, %arg19: memref<!tpu.dma_semaphore, #tpu.memory_space<semaphore_mem>>, %arg20: memref<!tpu.dma_semaphore, #tpu.memory_space<semaphore_mem>>, %arg21: memref<!tpu.dma_semaphore, #tpu.memory_space<semaphore_mem>>) attributes {dimension_semantics = [#tpu.dimension_semantics<core_parallel>, #tpu.dimension_semantics<subcore_parallel>], iteration_bounds = array<i64: 2, 16>, scalar_prefetch = 0 : i64, scratch_operands = 10 : i64, tpu.core_type = #tpu.core_type<sc_vector_subcore>, window_params = [{transform_indices = #map}, {transform_indices = #map}, {transform_indices = #map}, {transform_indices = #map}, {transform_indices = #map}, {transform_indices = #map}, {transform_indices = #map}, {transform_indices = #map}, {transform_indices = #map}, {transform_indices = #map}]} {
    %mul3A = arith.constant 2 : i32
    %mul3A_0 = arith.muli %arg1, %mul3A : i32
    %add3A = arith.addi %mul3A_0, %arg0 : i32
    %mul3A_1 = arith.constant 4 : i32
    %mul3A_2 = arith.muli %add3A, %mul3A_1 : i32
    "tpu.region"() ({
      %run_scoped3A = tpu.sem_alloc : memref<!tpu.dma_semaphore, #tpu.memory_space<semaphore_mem>>
      %dma_start3A_241 = arith.constant 0 : i32
      %dma_start3A_242 = tpu.memref_slice %arg2[%mul3A_2, %dma_start3A_241] : memref<128x128xi32, #tpu.memory_space<hbm>> -> memref<4x128xi32, #tpu.memory_space<hbm>>
      %dma_start3A_243 = arith.constant 0 : i32
      %dma_start3A_244 = tpu.memref_slice %arg2[%mul3A_2, %dma_start3A_243] : memref<128x128xi32, #tpu.memory_space<hbm>> -> memref<4x128xi32, #tpu.memory_space<hbm>>
      tpu.enqueue_dma source(%dma_start3A_244 : memref<4x128xi32, #tpu.memory_space<hbm>>) target(%arg12 : memref<4x128xi32, #tpu.memory_space<vmem>>) target_semaphore(%run_scoped3A : memref<!tpu.dma_semaphore, #tpu.memory_space<semaphore_mem>>)
      %dma_wait3A_245 = arith.constant 0 : i32
      %dma_wait3A_246 = tpu.memref_slice %arg2[%mul3A_2, %dma_wait3A_245] : memref<128x128xi32, #tpu.memory_space<hbm>> -> memref<4x128xi32, #tpu.memory_space<hbm>>
      %dma_wait3A_247 = arith.constant 0 : i32
      %dma_wait3A_248 = tpu.memref_slice %arg2[%mul3A_2, %dma_wait3A_247] : memref<128x128xi32, #tpu.memory_space<hbm>> -> memref<4x128xi32, #tpu.memory_space<hbm>>
      tpu.wait_dma2 semaphore(%run_scoped3A : memref<!tpu.dma_semaphore, #tpu.memory_space<semaphore_mem>>) src(%dma_wait3A_248 : memref<4x128xi32, #tpu.memory_space<hbm>>) dst(%arg12 : memref<4x128xi32, #tpu.memory_space<vmem>>)
      tpu.yield
    }) : () -> ()
    "tpu.region"() ({
      %run_scoped3A = tpu.sem_alloc : memref<!tpu.dma_semaphore, #tpu.memory_space<semaphore_mem>>
      %dma_start3A_241 = arith.constant 0 : i32
      %dma_start3A_242 = tpu.memref_slice %arg3[%mul3A_2, %dma_start3A_241] : memref<128x128xi32, #tpu.memory_space<hbm>> -> memref<4x128xi32, #tpu.memory_space<hbm>>
      %dma_start3A_243 = arith.constant 0 : i32
      %dma_start3A_244 = tpu.memref_slice %arg3[%mul3A_2, %dma_start3A_243] : memref<128x128xi32, #tpu.memory_space<hbm>> -> memref<4x128xi32, #tpu.memory_space<hbm>>
      tpu.enqueue_dma source(%dma_start3A_244 : memref<4x128xi32, #tpu.memory_space<hbm>>) target(%arg13 : memref<4x128xi32, #tpu.memory_space<vmem>>) target_semaphore(%run_scoped3A : memref<!tpu.dma_semaphore, #tpu.memory_space<semaphore_mem>>)
      %dma_wait3A_245 = arith.constant 0 : i32
      %dma_wait3A_246 = tpu.memref_slice %arg3[%mul3A_2, %dma_wait3A_245] : memref<128x128xi32, #tpu.memory_space<hbm>> -> memref<4x128xi32, #tpu.memory_space<hbm>>
      %dma_wait3A_247 = arith.constant 0 : i32
      %dma_wait3A_248 = tpu.memref_slice %arg3[%mul3A_2, %dma_wait3A_247] : memref<128x128xi32, #tpu.memory_space<hbm>> -> memref<4x128xi32, #tpu.memory_space<hbm>>
      tpu.wait_dma2 semaphore(%run_scoped3A : memref<!tpu.dma_semaphore, #tpu.memory_space<semaphore_mem>>) src(%dma_wait3A_248 : memref<4x128xi32, #tpu.memory_space<hbm>>) dst(%arg13 : memref<4x128xi32, #tpu.memory_space<vmem>>)
      tpu.yield
    }) : () -> ()
    %dma_start3A = arith.constant 0 : i32
    %dma_start3A_3 = arith.constant 0 : i32
    %dma_start3A_4 = tpu.memref_slice %arg12[%dma_start3A, %dma_start3A_3] : memref<4x128xi32, #tpu.memory_space<vmem>> -> memref<1x128xi32, #tpu.memory_space<vmem>>
    %dma_start3A_5 = tpu.memref_squeeze %dma_start3A_4 : memref<1x128xi32, #tpu.memory_space<vmem>> -> memref<128xi32, #tpu.memory_space<vmem>>
    %dma_start3A_6 = arith.constant 0 : i32
    %dma_start3A_7 = arith.constant 0 : i32
    %dma_start3A_8 = tpu.memref_slice %arg4[%dma_start3A_6, %dma_start3A_7] : memref<100000x64xf32, #tpu.memory_space<hbm>> -> memref<100000x64xf32, #tpu.memory_space<hbm>>
    tpu.enqueue_indirect_dma source(%dma_start3A_8 : memref<100000x64xf32, #tpu.memory_space<hbm>>) target(%arg14 : memref<128x64xf32, #tpu.memory_space<vmem>>) offsets(%dma_start3A_5 : memref<128xi32, #tpu.memory_space<vmem>>) semaphore(%arg18 : memref<!tpu.dma_semaphore, #tpu.memory_space<semaphore_mem>>)
    %dma_start3A_9 = arith.constant 0 : i32
    %dma_start3A_10 = arith.constant 0 : i32
    %dma_start3A_11 = tpu.memref_slice %arg13[%dma_start3A_9, %dma_start3A_10] : memref<4x128xi32, #tpu.memory_space<vmem>> -> memref<1x128xi32, #tpu.memory_space<vmem>>
    %dma_start3A_12 = tpu.memref_squeeze %dma_start3A_11 : memref<1x128xi32, #tpu.memory_space<vmem>> -> memref<128xi32, #tpu.memory_space<vmem>>
    %dma_start3A_13 = arith.constant 0 : i32
    %dma_start3A_14 = arith.constant 0 : i32
    %dma_start3A_15 = tpu.memref_slice %arg5[%dma_start3A_13, %dma_start3A_14] : memref<100000x64xf32, #tpu.memory_space<hbm>> -> memref<100000x64xf32, #tpu.memory_space<hbm>>
    tpu.enqueue_indirect_dma source(%dma_start3A_15 : memref<100000x64xf32, #tpu.memory_space<hbm>>) target(%arg15 : memref<128x64xf32, #tpu.memory_space<vmem>>) offsets(%dma_start3A_12 : memref<128xi32, #tpu.memory_space<vmem>>) semaphore(%arg19 : memref<!tpu.dma_semaphore, #tpu.memory_space<semaphore_mem>>)
    %dma_start3A_16 = arith.constant 0 : i32
    %dma_start3A_17 = arith.constant 0 : i32
    %dma_start3A_18 = tpu.memref_slice %arg12[%dma_start3A_16, %dma_start3A_17] : memref<4x128xi32, #tpu.memory_space<vmem>> -> memref<1x128xi32, #tpu.memory_space<vmem>>
    %dma_start3A_19 = tpu.memref_squeeze %dma_start3A_18 : memref<1x128xi32, #tpu.memory_space<vmem>> -> memref<128xi32, #tpu.memory_space<vmem>>
    %dma_start3A_20 = arith.constant 0 : i32
    %dma_start3A_21 = arith.constant 0 : i32
    %dma_start3A_22 = tpu.memref_slice %arg6[%dma_start3A_20, %dma_start3A_21] : memref<100000x64xf32, #tpu.memory_space<hbm>> -> memref<100000x64xf32, #tpu.memory_space<hbm>>
    tpu.enqueue_indirect_dma source(%dma_start3A_22 : memref<100000x64xf32, #tpu.memory_space<hbm>>) target(%arg16 : memref<128x64xf32, #tpu.memory_space<vmem>>) offsets(%dma_start3A_19 : memref<128xi32, #tpu.memory_space<vmem>>) semaphore(%arg20 : memref<!tpu.dma_semaphore, #tpu.memory_space<semaphore_mem>>)
    %dma_start3A_23 = arith.constant 0 : i32
    %dma_start3A_24 = arith.constant 0 : i32
    %dma_start3A_25 = tpu.memref_slice %arg13[%dma_start3A_23, %dma_start3A_24] : memref<4x128xi32, #tpu.memory_space<vmem>> -> memref<1x128xi32, #tpu.memory_space<vmem>>
    %dma_start3A_26 = tpu.memref_squeeze %dma_start3A_25 : memref<1x128xi32, #tpu.memory_space<vmem>> -> memref<128xi32, #tpu.memory_space<vmem>>
    %dma_start3A_27 = arith.constant 0 : i32
    %dma_start3A_28 = arith.constant 0 : i32
    %dma_start3A_29 = tpu.memref_slice %arg7[%dma_start3A_27, %dma_start3A_28] : memref<100000x64xf32, #tpu.memory_space<hbm>> -> memref<100000x64xf32, #tpu.memory_space<hbm>>
    tpu.enqueue_indirect_dma source(%dma_start3A_29 : memref<100000x64xf32, #tpu.memory_space<hbm>>) target(%arg17 : memref<128x64xf32, #tpu.memory_space<vmem>>) offsets(%dma_start3A_26 : memref<128xi32, #tpu.memory_space<vmem>>) semaphore(%arg21 : memref<!tpu.dma_semaphore, #tpu.memory_space<semaphore_mem>>)
    %add3A_30 = arith.constant 0 : i32
    %add3A_31 = arith.addi %mul3A_2, %add3A_30 : i32
    %mul3A_32 = arith.constant 128 : i32
    %mul3A_33 = arith.muli %add3A_31, %mul3A_32 : i32
    %dma_wait3A = arith.constant 0 : i32
    %dma_wait3A_34 = arith.constant 0 : i32
    %dma_wait3A_35 = tpu.memref_slice %arg12[%dma_wait3A, %dma_wait3A_34] : memref<4x128xi32, #tpu.memory_space<vmem>> -> memref<1x128xi32, #tpu.memory_space<vmem>>
    %dma_wait3A_36 = tpu.memref_squeeze %dma_wait3A_35 : memref<1x128xi32, #tpu.memory_space<vmem>> -> memref<128xi32, #tpu.memory_space<vmem>>
    %dma_wait3A_37 = arith.constant 0 : i32
    %dma_wait3A_38 = arith.constant 0 : i32
    %dma_wait3A_39 = tpu.memref_slice %arg4[%dma_wait3A_37, %dma_wait3A_38] : memref<100000x64xf32, #tpu.memory_space<hbm>> -> memref<100000x64xf32, #tpu.memory_space<hbm>>
    tpu.wait_indirect_dma semaphore(%arg18 : memref<!tpu.dma_semaphore, #tpu.memory_space<semaphore_mem>>) src(%dma_wait3A_39 : memref<100000x64xf32, #tpu.memory_space<hbm>>) dst(%arg14 : memref<128x64xf32, #tpu.memory_space<vmem>>)
    "tpu.region"() ({
      %run_scoped3A = tpu.sem_alloc : memref<!tpu.dma_semaphore, #tpu.memory_space<semaphore_mem>>
      %dma_start3A_241 = arith.constant 0 : i32
      %dma_start3A_242 = tpu.memref_slice %arg8[%mul3A_33, %dma_start3A_241] : memref<16384x64xf32, #tpu.memory_space<hbm>> -> memref<128x64xf32, #tpu.memory_space<hbm>>
      %dma_start3A_243 = arith.constant 0 : i32
      %dma_start3A_244 = tpu.memref_slice %arg8[%mul3A_33, %dma_start3A_243] : memref<16384x64xf32, #tpu.memory_space<hbm>> -> memref<128x64xf32, #tpu.memory_space<hbm>>
      tpu.enqueue_dma source(%arg14 : memref<128x64xf32, #tpu.memory_space<vmem>>) target(%dma_start3A_244 : memref<128x64xf32, #tpu.memory_space<hbm>>) target_semaphore(%run_scoped3A : memref<!tpu.dma_semaphore, #tpu.memory_space<semaphore_mem>>)
      %dma_wait3A_245 = arith.constant 0 : i32
      %dma_wait3A_246 = tpu.memref_slice %arg8[%mul3A_33, %dma_wait3A_245] : memref<16384x64xf32, #tpu.memory_space<hbm>> -> memref<128x64xf32, #tpu.memory_space<hbm>>
      %dma_wait3A_247 = arith.constant 0 : i32
      %dma_wait3A_248 = tpu.memref_slice %arg8[%mul3A_33, %dma_wait3A_247] : memref<16384x64xf32, #tpu.memory_space<hbm>> -> memref<128x64xf32, #tpu.memory_space<hbm>>
      tpu.wait_dma2 semaphore(%run_scoped3A : memref<!tpu.dma_semaphore, #tpu.memory_space<semaphore_mem>>) src(%arg14 : memref<128x64xf32, #tpu.memory_space<vmem>>) dst(%dma_wait3A_248 : memref<128x64xf32, #tpu.memory_space<hbm>>)
      tpu.yield
    }) : () -> ()
    %dma_wait3A_40 = arith.constant 0 : i32
    %dma_wait3A_41 = arith.constant 0 : i32
    %dma_wait3A_42 = tpu.memref_slice %arg13[%dma_wait3A_40, %dma_wait3A_41] : memref<4x128xi32, #tpu.memory_space<vmem>> -> memref<1x128xi32, #tpu.memory_space<vmem>>
    %dma_wait3A_43 = tpu.memref_squeeze %dma_wait3A_42 : memref<1x128xi32, #tpu.memory_space<vmem>> -> memref<128xi32, #tpu.memory_space<vmem>>
    %dma_wait3A_44 = arith.constant 0 : i32
    %dma_wait3A_45 = arith.constant 0 : i32
    %dma_wait3A_46 = tpu.memref_slice %arg5[%dma_wait3A_44, %dma_wait3A_45] : memref<100000x64xf32, #tpu.memory_space<hbm>> -> memref<100000x64xf32, #tpu.memory_space<hbm>>
    tpu.wait_indirect_dma semaphore(%arg19 : memref<!tpu.dma_semaphore, #tpu.memory_space<semaphore_mem>>) src(%dma_wait3A_46 : memref<100000x64xf32, #tpu.memory_space<hbm>>) dst(%arg15 : memref<128x64xf32, #tpu.memory_space<vmem>>)
    "tpu.region"() ({
      %run_scoped3A = tpu.sem_alloc : memref<!tpu.dma_semaphore, #tpu.memory_space<semaphore_mem>>
      %dma_start3A_241 = arith.constant 0 : i32
      %dma_start3A_242 = tpu.memref_slice %arg9[%mul3A_33, %dma_start3A_241] : memref<16384x64xf32, #tpu.memory_space<hbm>> -> memref<128x64xf32, #tpu.memory_space<hbm>>
      %dma_start3A_243 = arith.constant 0 : i32
      %dma_start3A_244 = tpu.memref_slice %arg9[%mul3A_33, %dma_start3A_243] : memref<16384x64xf32, #tpu.memory_space<hbm>> -> memref<128x64xf32, #tpu.memory_space<hbm>>
      tpu.enqueue_dma source(%arg15 : memref<128x64xf32, #tpu.memory_space<vmem>>) target(%dma_start3A_244 : memref<128x64xf32, #tpu.memory_space<hbm>>) target_semaphore(%run_scoped3A : memref<!tpu.dma_semaphore, #tpu.memory_space<semaphore_mem>>)
      %dma_wait3A_245 = arith.constant 0 : i32
      %dma_wait3A_246 = tpu.memref_slice %arg9[%mul3A_33, %dma_wait3A_245] : memref<16384x64xf32, #tpu.memory_space<hbm>> -> memref<128x64xf32, #tpu.memory_space<hbm>>
      %dma_wait3A_247 = arith.constant 0 : i32
      %dma_wait3A_248 = tpu.memref_slice %arg9[%mul3A_33, %dma_wait3A_247] : memref<16384x64xf32, #tpu.memory_space<hbm>> -> memref<128x64xf32, #tpu.memory_space<hbm>>
      tpu.wait_dma2 semaphore(%run_scoped3A : memref<!tpu.dma_semaphore, #tpu.memory_space<semaphore_mem>>) src(%arg15 : memref<128x64xf32, #tpu.memory_space<vmem>>) dst(%dma_wait3A_248 : memref<128x64xf32, #tpu.memory_space<hbm>>)
      tpu.yield
    }) : () -> ()
    %dma_wait3A_47 = arith.constant 0 : i32
    %dma_wait3A_48 = arith.constant 0 : i32
    %dma_wait3A_49 = tpu.memref_slice %arg12[%dma_wait3A_47, %dma_wait3A_48] : memref<4x128xi32, #tpu.memory_space<vmem>> -> memref<1x128xi32, #tpu.memory_space<vmem>>
    %dma_wait3A_50 = tpu.memref_squeeze %dma_wait3A_49 : memref<1x128xi32, #tpu.memory_space<vmem>> -> memref<128xi32, #tpu.memory_space<vmem>>
    %dma_wait3A_51 = arith.constant 0 : i32
    %dma_wait3A_52 = arith.constant 0 : i32
    %dma_wait3A_53 = tpu.memref_slice %arg6[%dma_wait3A_51, %dma_wait3A_52] : memref<100000x64xf32, #tpu.memory_space<hbm>> -> memref<100000x64xf32, #tpu.memory_space<hbm>>
    tpu.wait_indirect_dma semaphore(%arg20 : memref<!tpu.dma_semaphore, #tpu.memory_space<semaphore_mem>>) src(%dma_wait3A_53 : memref<100000x64xf32, #tpu.memory_space<hbm>>) dst(%arg16 : memref<128x64xf32, #tpu.memory_space<vmem>>)
    "tpu.region"() ({
      %run_scoped3A = tpu.sem_alloc : memref<!tpu.dma_semaphore, #tpu.memory_space<semaphore_mem>>
      %dma_start3A_241 = arith.constant 0 : i32
      %dma_start3A_242 = tpu.memref_slice %arg10[%mul3A_33, %dma_start3A_241] : memref<16384x64xf32, #tpu.memory_space<hbm>> -> memref<128x64xf32, #tpu.memory_space<hbm>>
      %dma_start3A_243 = arith.constant 0 : i32
      %dma_start3A_244 = tpu.memref_slice %arg10[%mul3A_33, %dma_start3A_243] : memref<16384x64xf32, #tpu.memory_space<hbm>> -> memref<128x64xf32, #tpu.memory_space<hbm>>
      tpu.enqueue_dma source(%arg16 : memref<128x64xf32, #tpu.memory_space<vmem>>) target(%dma_start3A_244 : memref<128x64xf32, #tpu.memory_space<hbm>>) target_semaphore(%run_scoped3A : memref<!tpu.dma_semaphore, #tpu.memory_space<semaphore_mem>>)
      %dma_wait3A_245 = arith.constant 0 : i32
      %dma_wait3A_246 = tpu.memref_slice %arg10[%mul3A_33, %dma_wait3A_245] : memref<16384x64xf32, #tpu.memory_space<hbm>> -> memref<128x64xf32, #tpu.memory_space<hbm>>
      %dma_wait3A_247 = arith.constant 0 : i32
      %dma_wait3A_248 = tpu.memref_slice %arg10[%mul3A_33, %dma_wait3A_247] : memref<16384x64xf32, #tpu.memory_space<hbm>> -> memref<128x64xf32, #tpu.memory_space<hbm>>
      tpu.wait_dma2 semaphore(%run_scoped3A : memref<!tpu.dma_semaphore, #tpu.memory_space<semaphore_mem>>) src(%arg16 : memref<128x64xf32, #tpu.memory_space<vmem>>) dst(%dma_wait3A_248 : memref<128x64xf32, #tpu.memory_space<hbm>>)
      tpu.yield
    }) : () -> ()
    %dma_wait3A_54 = arith.constant 0 : i32
    %dma_wait3A_55 = arith.constant 0 : i32
    %dma_wait3A_56 = tpu.memref_slice %arg13[%dma_wait3A_54, %dma_wait3A_55] : memref<4x128xi32, #tpu.memory_space<vmem>> -> memref<1x128xi32, #tpu.memory_space<vmem>>
    %dma_wait3A_57 = tpu.memref_squeeze %dma_wait3A_56 : memref<1x128xi32, #tpu.memory_space<vmem>> -> memref<128xi32, #tpu.memory_space<vmem>>
    %dma_wait3A_58 = arith.constant 0 : i32
    %dma_wait3A_59 = arith.constant 0 : i32
    %dma_wait3A_60 = tpu.memref_slice %arg7[%dma_wait3A_58, %dma_wait3A_59] : memref<100000x64xf32, #tpu.memory_space<hbm>> -> memref<100000x64xf32, #tpu.memory_space<hbm>>
    tpu.wait_indirect_dma semaphore(%arg21 : memref<!tpu.dma_semaphore, #tpu.memory_space<semaphore_mem>>) src(%dma_wait3A_60 : memref<100000x64xf32, #tpu.memory_space<hbm>>) dst(%arg17 : memref<128x64xf32, #tpu.memory_space<vmem>>)
    "tpu.region"() ({
      %run_scoped3A = tpu.sem_alloc : memref<!tpu.dma_semaphore, #tpu.memory_space<semaphore_mem>>
      %dma_start3A_241 = arith.constant 0 : i32
      %dma_start3A_242 = tpu.memref_slice %arg11[%mul3A_33, %dma_start3A_241] : memref<16384x64xf32, #tpu.memory_space<hbm>> -> memref<128x64xf32, #tpu.memory_space<hbm>>
      %dma_start3A_243 = arith.constant 0 : i32
      %dma_start3A_244 = tpu.memref_slice %arg11[%mul3A_33, %dma_start3A_243] : memref<16384x64xf32, #tpu.memory_space<hbm>> -> memref<128x64xf32, #tpu.memory_space<hbm>>
      tpu.enqueue_dma source(%arg17 : memref<128x64xf32, #tpu.memory_space<vmem>>) target(%dma_start3A_244 : memref<128x64xf32, #tpu.memory_space<hbm>>) target_semaphore(%run_scoped3A : memref<!tpu.dma_semaphore, #tpu.memory_space<semaphore_mem>>)
      %dma_wait3A_245 = arith.constant 0 : i32
      %dma_wait3A_246 = tpu.memref_slice %arg11[%mul3A_33, %dma_wait3A_245] : memref<16384x64xf32, #tpu.memory_space<hbm>> -> memref<128x64xf32, #tpu.memory_space<hbm>>
      %dma_wait3A_247 = arith.constant 0 : i32
      %dma_wait3A_248 = tpu.memref_slice %arg11[%mul3A_33, %dma_wait3A_247] : memref<16384x64xf32, #tpu.memory_space<hbm>> -> memref<128x64xf32, #tpu.memory_space<hbm>>
      tpu.wait_dma2 semaphore(%run_scoped3A : memref<!tpu.dma_semaphore, #tpu.memory_space<semaphore_mem>>) src(%arg17 : memref<128x64xf32, #tpu.memory_space<vmem>>) dst(%dma_wait3A_248 : memref<128x64xf32, #tpu.memory_space<hbm>>)
      tpu.yield
    }) : () -> ()
    %dma_start3A_61 = arith.constant 1 : i32
    %dma_start3A_62 = arith.constant 0 : i32
    %dma_start3A_63 = tpu.memref_slice %arg12[%dma_start3A_61, %dma_start3A_62] : memref<4x128xi32, #tpu.memory_space<vmem>> -> memref<1x128xi32, #tpu.memory_space<vmem>>
    %dma_start3A_64 = tpu.memref_squeeze %dma_start3A_63 : memref<1x128xi32, #tpu.memory_space<vmem>> -> memref<128xi32, #tpu.memory_space<vmem>>
    %dma_start3A_65 = arith.constant 0 : i32
    %dma_start3A_66 = arith.constant 0 : i32
    %dma_start3A_67 = tpu.memref_slice %arg4[%dma_start3A_65, %dma_start3A_66] : memref<100000x64xf32, #tpu.memory_space<hbm>> -> memref<100000x64xf32, #tpu.memory_space<hbm>>
    tpu.enqueue_indirect_dma source(%dma_start3A_67 : memref<100000x64xf32, #tpu.memory_space<hbm>>) target(%arg14 : memref<128x64xf32, #tpu.memory_space<vmem>>) offsets(%dma_start3A_64 : memref<128xi32, #tpu.memory_space<vmem>>) semaphore(%arg18 : memref<!tpu.dma_semaphore, #tpu.memory_space<semaphore_mem>>)
    %dma_start3A_68 = arith.constant 1 : i32
    %dma_start3A_69 = arith.constant 0 : i32
    %dma_start3A_70 = tpu.memref_slice %arg13[%dma_start3A_68, %dma_start3A_69] : memref<4x128xi32, #tpu.memory_space<vmem>> -> memref<1x128xi32, #tpu.memory_space<vmem>>
    %dma_start3A_71 = tpu.memref_squeeze %dma_start3A_70 : memref<1x128xi32, #tpu.memory_space<vmem>> -> memref<128xi32, #tpu.memory_space<vmem>>
    %dma_start3A_72 = arith.constant 0 : i32
    %dma_start3A_73 = arith.constant 0 : i32
    %dma_start3A_74 = tpu.memref_slice %arg5[%dma_start3A_72, %dma_start3A_73] : memref<100000x64xf32, #tpu.memory_space<hbm>> -> memref<100000x64xf32, #tpu.memory_space<hbm>>
    tpu.enqueue_indirect_dma source(%dma_start3A_74 : memref<100000x64xf32, #tpu.memory_space<hbm>>) target(%arg15 : memref<128x64xf32, #tpu.memory_space<vmem>>) offsets(%dma_start3A_71 : memref<128xi32, #tpu.memory_space<vmem>>) semaphore(%arg19 : memref<!tpu.dma_semaphore, #tpu.memory_space<semaphore_mem>>)
    %dma_start3A_75 = arith.constant 1 : i32
    %dma_start3A_76 = arith.constant 0 : i32
    %dma_start3A_77 = tpu.memref_slice %arg12[%dma_start3A_75, %dma_start3A_76] : memref<4x128xi32, #tpu.memory_space<vmem>> -> memref<1x128xi32, #tpu.memory_space<vmem>>
    %dma_start3A_78 = tpu.memref_squeeze %dma_start3A_77 : memref<1x128xi32, #tpu.memory_space<vmem>> -> memref<128xi32, #tpu.memory_space<vmem>>
    %dma_start3A_79 = arith.constant 0 : i32
    %dma_start3A_80 = arith.constant 0 : i32
    %dma_start3A_81 = tpu.memref_slice %arg6[%dma_start3A_79, %dma_start3A_80] : memref<100000x64xf32, #tpu.memory_space<hbm>> -> memref<100000x64xf32, #tpu.memory_space<hbm>>
    tpu.enqueue_indirect_dma source(%dma_start3A_81 : memref<100000x64xf32, #tpu.memory_space<hbm>>) target(%arg16 : memref<128x64xf32, #tpu.memory_space<vmem>>) offsets(%dma_start3A_78 : memref<128xi32, #tpu.memory_space<vmem>>) semaphore(%arg20 : memref<!tpu.dma_semaphore, #tpu.memory_space<semaphore_mem>>)
    %dma_start3A_82 = arith.constant 1 : i32
    %dma_start3A_83 = arith.constant 0 : i32
    %dma_start3A_84 = tpu.memref_slice %arg13[%dma_start3A_82, %dma_start3A_83] : memref<4x128xi32, #tpu.memory_space<vmem>> -> memref<1x128xi32, #tpu.memory_space<vmem>>
    %dma_start3A_85 = tpu.memref_squeeze %dma_start3A_84 : memref<1x128xi32, #tpu.memory_space<vmem>> -> memref<128xi32, #tpu.memory_space<vmem>>
    %dma_start3A_86 = arith.constant 0 : i32
    %dma_start3A_87 = arith.constant 0 : i32
    %dma_start3A_88 = tpu.memref_slice %arg7[%dma_start3A_86, %dma_start3A_87] : memref<100000x64xf32, #tpu.memory_space<hbm>> -> memref<100000x64xf32, #tpu.memory_space<hbm>>
    tpu.enqueue_indirect_dma source(%dma_start3A_88 : memref<100000x64xf32, #tpu.memory_space<hbm>>) target(%arg17 : memref<128x64xf32, #tpu.memory_space<vmem>>) offsets(%dma_start3A_85 : memref<128xi32, #tpu.memory_space<vmem>>) semaphore(%arg21 : memref<!tpu.dma_semaphore, #tpu.memory_space<semaphore_mem>>)
    %add3A_89 = arith.constant 1 : i32
    %add3A_90 = arith.addi %mul3A_2, %add3A_89 : i32
    %mul3A_91 = arith.constant 128 : i32
    %mul3A_92 = arith.muli %add3A_90, %mul3A_91 : i32
    %dma_wait3A_93 = arith.constant 1 : i32
    %dma_wait3A_94 = arith.constant 0 : i32
    %dma_wait3A_95 = tpu.memref_slice %arg12[%dma_wait3A_93, %dma_wait3A_94] : memref<4x128xi32, #tpu.memory_space<vmem>> -> memref<1x128xi32, #tpu.memory_space<vmem>>
    %dma_wait3A_96 = tpu.memref_squeeze %dma_wait3A_95 : memref<1x128xi32, #tpu.memory_space<vmem>> -> memref<128xi32, #tpu.memory_space<vmem>>
    %dma_wait3A_97 = arith.constant 0 : i32
    %dma_wait3A_98 = arith.constant 0 : i32
    %dma_wait3A_99 = tpu.memref_slice %arg4[%dma_wait3A_97, %dma_wait3A_98] : memref<100000x64xf32, #tpu.memory_space<hbm>> -> memref<100000x64xf32, #tpu.memory_space<hbm>>
    tpu.wait_indirect_dma semaphore(%arg18 : memref<!tpu.dma_semaphore, #tpu.memory_space<semaphore_mem>>) src(%dma_wait3A_99 : memref<100000x64xf32, #tpu.memory_space<hbm>>) dst(%arg14 : memref<128x64xf32, #tpu.memory_space<vmem>>)
    "tpu.region"() ({
      %run_scoped3A = tpu.sem_alloc : memref<!tpu.dma_semaphore, #tpu.memory_space<semaphore_mem>>
      %dma_start3A_241 = arith.constant 0 : i32
      %dma_start3A_242 = tpu.memref_slice %arg8[%mul3A_92, %dma_start3A_241] : memref<16384x64xf32, #tpu.memory_space<hbm>> -> memref<128x64xf32, #tpu.memory_space<hbm>>
      %dma_start3A_243 = arith.constant 0 : i32
      %dma_start3A_244 = tpu.memref_slice %arg8[%mul3A_92, %dma_start3A_243] : memref<16384x64xf32, #tpu.memory_space<hbm>> -> memref<128x64xf32, #tpu.memory_space<hbm>>
      tpu.enqueue_dma source(%arg14 : memref<128x64xf32, #tpu.memory_space<vmem>>) target(%dma_start3A_244 : memref<128x64xf32, #tpu.memory_space<hbm>>) target_semaphore(%run_scoped3A : memref<!tpu.dma_semaphore, #tpu.memory_space<semaphore_mem>>)
      %dma_wait3A_245 = arith.constant 0 : i32
      %dma_wait3A_246 = tpu.memref_slice %arg8[%mul3A_92, %dma_wait3A_245] : memref<16384x64xf32, #tpu.memory_space<hbm>> -> memref<128x64xf32, #tpu.memory_space<hbm>>
      %dma_wait3A_247 = arith.constant 0 : i32
      %dma_wait3A_248 = tpu.memref_slice %arg8[%mul3A_92, %dma_wait3A_247] : memref<16384x64xf32, #tpu.memory_space<hbm>> -> memref<128x64xf32, #tpu.memory_space<hbm>>
      tpu.wait_dma2 semaphore(%run_scoped3A : memref<!tpu.dma_semaphore, #tpu.memory_space<semaphore_mem>>) src(%arg14 : memref<128x64xf32, #tpu.memory_space<vmem>>) dst(%dma_wait3A_248 : memref<128x64xf32, #tpu.memory_space<hbm>>)
      tpu.yield
    }) : () -> ()
    %dma_wait3A_100 = arith.constant 1 : i32
    %dma_wait3A_101 = arith.constant 0 : i32
    %dma_wait3A_102 = tpu.memref_slice %arg13[%dma_wait3A_100, %dma_wait3A_101] : memref<4x128xi32, #tpu.memory_space<vmem>> -> memref<1x128xi32, #tpu.memory_space<vmem>>
    %dma_wait3A_103 = tpu.memref_squeeze %dma_wait3A_102 : memref<1x128xi32, #tpu.memory_space<vmem>> -> memref<128xi32, #tpu.memory_space<vmem>>
    %dma_wait3A_104 = arith.constant 0 : i32
    %dma_wait3A_105 = arith.constant 0 : i32
    %dma_wait3A_106 = tpu.memref_slice %arg5[%dma_wait3A_104, %dma_wait3A_105] : memref<100000x64xf32, #tpu.memory_space<hbm>> -> memref<100000x64xf32, #tpu.memory_space<hbm>>
    tpu.wait_indirect_dma semaphore(%arg19 : memref<!tpu.dma_semaphore, #tpu.memory_space<semaphore_mem>>) src(%dma_wait3A_106 : memref<100000x64xf32, #tpu.memory_space<hbm>>) dst(%arg15 : memref<128x64xf32, #tpu.memory_space<vmem>>)
    "tpu.region"() ({
      %run_scoped3A = tpu.sem_alloc : memref<!tpu.dma_semaphore, #tpu.memory_space<semaphore_mem>>
      %dma_start3A_241 = arith.constant 0 : i32
      %dma_start3A_242 = tpu.memref_slice %arg9[%mul3A_92, %dma_start3A_241] : memref<16384x64xf32, #tpu.memory_space<hbm>> -> memref<128x64xf32, #tpu.memory_space<hbm>>
      %dma_start3A_243 = arith.constant 0 : i32
      %dma_start3A_244 = tpu.memref_slice %arg9[%mul3A_92, %dma_start3A_243] : memref<16384x64xf32, #tpu.memory_space<hbm>> -> memref<128x64xf32, #tpu.memory_space<hbm>>
      tpu.enqueue_dma source(%arg15 : memref<128x64xf32, #tpu.memory_space<vmem>>) target(%dma_start3A_244 : memref<128x64xf32, #tpu.memory_space<hbm>>) target_semaphore(%run_scoped3A : memref<!tpu.dma_semaphore, #tpu.memory_space<semaphore_mem>>)
      %dma_wait3A_245 = arith.constant 0 : i32
      %dma_wait3A_246 = tpu.memref_slice %arg9[%mul3A_92, %dma_wait3A_245] : memref<16384x64xf32, #tpu.memory_space<hbm>> -> memref<128x64xf32, #tpu.memory_space<hbm>>
      %dma_wait3A_247 = arith.constant 0 : i32
      %dma_wait3A_248 = tpu.memref_slice %arg9[%mul3A_92, %dma_wait3A_247] : memref<16384x64xf32, #tpu.memory_space<hbm>> -> memref<128x64xf32, #tpu.memory_space<hbm>>
      tpu.wait_dma2 semaphore(%run_scoped3A : memref<!tpu.dma_semaphore, #tpu.memory_space<semaphore_mem>>) src(%arg15 : memref<128x64xf32, #tpu.memory_space<vmem>>) dst(%dma_wait3A_248 : memref<128x64xf32, #tpu.memory_space<hbm>>)
      tpu.yield
    }) : () -> ()
    %dma_wait3A_107 = arith.constant 1 : i32
    %dma_wait3A_108 = arith.constant 0 : i32
    %dma_wait3A_109 = tpu.memref_slice %arg12[%dma_wait3A_107, %dma_wait3A_108] : memref<4x128xi32, #tpu.memory_space<vmem>> -> memref<1x128xi32, #tpu.memory_space<vmem>>
    %dma_wait3A_110 = tpu.memref_squeeze %dma_wait3A_109 : memref<1x128xi32, #tpu.memory_space<vmem>> -> memref<128xi32, #tpu.memory_space<vmem>>
    %dma_wait3A_111 = arith.constant 0 : i32
    %dma_wait3A_112 = arith.constant 0 : i32
    %dma_wait3A_113 = tpu.memref_slice %arg6[%dma_wait3A_111, %dma_wait3A_112] : memref<100000x64xf32, #tpu.memory_space<hbm>> -> memref<100000x64xf32, #tpu.memory_space<hbm>>
    tpu.wait_indirect_dma semaphore(%arg20 : memref<!tpu.dma_semaphore, #tpu.memory_space<semaphore_mem>>) src(%dma_wait3A_113 : memref<100000x64xf32, #tpu.memory_space<hbm>>) dst(%arg16 : memref<128x64xf32, #tpu.memory_space<vmem>>)
    "tpu.region"() ({
      %run_scoped3A = tpu.sem_alloc : memref<!tpu.dma_semaphore, #tpu.memory_space<semaphore_mem>>
      %dma_start3A_241 = arith.constant 0 : i32
      %dma_start3A_242 = tpu.memref_slice %arg10[%mul3A_92, %dma_start3A_241] : memref<16384x64xf32, #tpu.memory_space<hbm>> -> memref<128x64xf32, #tpu.memory_space<hbm>>
      %dma_start3A_243 = arith.constant 0 : i32
      %dma_start3A_244 = tpu.memref_slice %arg10[%mul3A_92, %dma_start3A_243] : memref<16384x64xf32, #tpu.memory_space<hbm>> -> memref<128x64xf32, #tpu.memory_space<hbm>>
      tpu.enqueue_dma source(%arg16 : memref<128x64xf32, #tpu.memory_space<vmem>>) target(%dma_start3A_244 : memref<128x64xf32, #tpu.memory_space<hbm>>) target_semaphore(%run_scoped3A : memref<!tpu.dma_semaphore, #tpu.memory_space<semaphore_mem>>)
      %dma_wait3A_245 = arith.constant 0 : i32
      %dma_wait3A_246 = tpu.memref_slice %arg10[%mul3A_92, %dma_wait3A_245] : memref<16384x64xf32, #tpu.memory_space<hbm>> -> memref<128x64xf32, #tpu.memory_space<hbm>>
      %dma_wait3A_247 = arith.constant 0 : i32
      %dma_wait3A_248 = tpu.memref_slice %arg10[%mul3A_92, %dma_wait3A_247] : memref<16384x64xf32, #tpu.memory_space<hbm>> -> memref<128x64xf32, #tpu.memory_space<hbm>>
      tpu.wait_dma2 semaphore(%run_scoped3A : memref<!tpu.dma_semaphore, #tpu.memory_space<semaphore_mem>>) src(%arg16 : memref<128x64xf32, #tpu.memory_space<vmem>>) dst(%dma_wait3A_248 : memref<128x64xf32, #tpu.memory_space<hbm>>)
      tpu.yield
    }) : () -> ()
    %dma_wait3A_114 = arith.constant 1 : i32
    %dma_wait3A_115 = arith.constant 0 : i32
    %dma_wait3A_116 = tpu.memref_slice %arg13[%dma_wait3A_114, %dma_wait3A_115] : memref<4x128xi32, #tpu.memory_space<vmem>> -> memref<1x128xi32, #tpu.memory_space<vmem>>
    %dma_wait3A_117 = tpu.memref_squeeze %dma_wait3A_116 : memref<1x128xi32, #tpu.memory_space<vmem>> -> memref<128xi32, #tpu.memory_space<vmem>>
    %dma_wait3A_118 = arith.constant 0 : i32
    %dma_wait3A_119 = arith.constant 0 : i32
    %dma_wait3A_120 = tpu.memref_slice %arg7[%dma_wait3A_118, %dma_wait3A_119] : memref<100000x64xf32, #tpu.memory_space<hbm>> -> memref<100000x64xf32, #tpu.memory_space<hbm>>
    tpu.wait_indirect_dma semaphore(%arg21 : memref<!tpu.dma_semaphore, #tpu.memory_space<semaphore_mem>>) src(%dma_wait3A_120 : memref<100000x64xf32, #tpu.memory_space<hbm>>) dst(%arg17 : memref<128x64xf32, #tpu.memory_space<vmem>>)
    "tpu.region"() ({
      %run_scoped3A = tpu.sem_alloc : memref<!tpu.dma_semaphore, #tpu.memory_space<semaphore_mem>>
      %dma_start3A_241 = arith.constant 0 : i32
      %dma_start3A_242 = tpu.memref_slice %arg11[%mul3A_92, %dma_start3A_241] : memref<16384x64xf32, #tpu.memory_space<hbm>> -> memref<128x64xf32, #tpu.memory_space<hbm>>
      %dma_start3A_243 = arith.constant 0 : i32
      %dma_start3A_244 = tpu.memref_slice %arg11[%mul3A_92, %dma_start3A_243] : memref<16384x64xf32, #tpu.memory_space<hbm>> -> memref<128x64xf32, #tpu.memory_space<hbm>>
      tpu.enqueue_dma source(%arg17 : memref<128x64xf32, #tpu.memory_space<vmem>>) target(%dma_start3A_244 : memref<128x64xf32, #tpu.memory_space<hbm>>) target_semaphore(%run_scoped3A : memref<!tpu.dma_semaphore, #tpu.memory_space<semaphore_mem>>)
      %dma_wait3A_245 = arith.constant 0 : i32
      %dma_wait3A_246 = tpu.memref_slice %arg11[%mul3A_92, %dma_wait3A_245] : memref<16384x64xf32, #tpu.memory_space<hbm>> -> memref<128x64xf32, #tpu.memory_space<hbm>>
      %dma_wait3A_247 = arith.constant 0 : i32
      %dma_wait3A_248 = tpu.memref_slice %arg11[%mul3A_92, %dma_wait3A_247] : memref<16384x64xf32, #tpu.memory_space<hbm>> -> memref<128x64xf32, #tpu.memory_space<hbm>>
      tpu.wait_dma2 semaphore(%run_scoped3A : memref<!tpu.dma_semaphore, #tpu.memory_space<semaphore_mem>>) src(%arg17 : memref<128x64xf32, #tpu.memory_space<vmem>>) dst(%dma_wait3A_248 : memref<128x64xf32, #tpu.memory_space<hbm>>)
      tpu.yield
    }) : () -> ()
    %dma_start3A_121 = arith.constant 2 : i32
    %dma_start3A_122 = arith.constant 0 : i32
    %dma_start3A_123 = tpu.memref_slice %arg12[%dma_start3A_121, %dma_start3A_122] : memref<4x128xi32, #tpu.memory_space<vmem>> -> memref<1x128xi32, #tpu.memory_space<vmem>>
    %dma_start3A_124 = tpu.memref_squeeze %dma_start3A_123 : memref<1x128xi32, #tpu.memory_space<vmem>> -> memref<128xi32, #tpu.memory_space<vmem>>
    %dma_start3A_125 = arith.constant 0 : i32
    %dma_start3A_126 = arith.constant 0 : i32
    %dma_start3A_127 = tpu.memref_slice %arg4[%dma_start3A_125, %dma_start3A_126] : memref<100000x64xf32, #tpu.memory_space<hbm>> -> memref<100000x64xf32, #tpu.memory_space<hbm>>
    tpu.enqueue_indirect_dma source(%dma_start3A_127 : memref<100000x64xf32, #tpu.memory_space<hbm>>) target(%arg14 : memref<128x64xf32, #tpu.memory_space<vmem>>) offsets(%dma_start3A_124 : memref<128xi32, #tpu.memory_space<vmem>>) semaphore(%arg18 : memref<!tpu.dma_semaphore, #tpu.memory_space<semaphore_mem>>)
    %dma_start3A_128 = arith.constant 2 : i32
    %dma_start3A_129 = arith.constant 0 : i32
    %dma_start3A_130 = tpu.memref_slice %arg13[%dma_start3A_128, %dma_start3A_129] : memref<4x128xi32, #tpu.memory_space<vmem>> -> memref<1x128xi32, #tpu.memory_space<vmem>>
    %dma_start3A_131 = tpu.memref_squeeze %dma_start3A_130 : memref<1x128xi32, #tpu.memory_space<vmem>> -> memref<128xi32, #tpu.memory_space<vmem>>
    %dma_start3A_132 = arith.constant 0 : i32
    %dma_start3A_133 = arith.constant 0 : i32
    %dma_start3A_134 = tpu.memref_slice %arg5[%dma_start3A_132, %dma_start3A_133] : memref<100000x64xf32, #tpu.memory_space<hbm>> -> memref<100000x64xf32, #tpu.memory_space<hbm>>
    tpu.enqueue_indirect_dma source(%dma_start3A_134 : memref<100000x64xf32, #tpu.memory_space<hbm>>) target(%arg15 : memref<128x64xf32, #tpu.memory_space<vmem>>) offsets(%dma_start3A_131 : memref<128xi32, #tpu.memory_space<vmem>>) semaphore(%arg19 : memref<!tpu.dma_semaphore, #tpu.memory_space<semaphore_mem>>)
    %dma_start3A_135 = arith.constant 2 : i32
    %dma_start3A_136 = arith.constant 0 : i32
    %dma_start3A_137 = tpu.memref_slice %arg12[%dma_start3A_135, %dma_start3A_136] : memref<4x128xi32, #tpu.memory_space<vmem>> -> memref<1x128xi32, #tpu.memory_space<vmem>>
    %dma_start3A_138 = tpu.memref_squeeze %dma_start3A_137 : memref<1x128xi32, #tpu.memory_space<vmem>> -> memref<128xi32, #tpu.memory_space<vmem>>
    %dma_start3A_139 = arith.constant 0 : i32
    %dma_start3A_140 = arith.constant 0 : i32
    %dma_start3A_141 = tpu.memref_slice %arg6[%dma_start3A_139, %dma_start3A_140] : memref<100000x64xf32, #tpu.memory_space<hbm>> -> memref<100000x64xf32, #tpu.memory_space<hbm>>
    tpu.enqueue_indirect_dma source(%dma_start3A_141 : memref<100000x64xf32, #tpu.memory_space<hbm>>) target(%arg16 : memref<128x64xf32, #tpu.memory_space<vmem>>) offsets(%dma_start3A_138 : memref<128xi32, #tpu.memory_space<vmem>>) semaphore(%arg20 : memref<!tpu.dma_semaphore, #tpu.memory_space<semaphore_mem>>)
    %dma_start3A_142 = arith.constant 2 : i32
    %dma_start3A_143 = arith.constant 0 : i32
    %dma_start3A_144 = tpu.memref_slice %arg13[%dma_start3A_142, %dma_start3A_143] : memref<4x128xi32, #tpu.memory_space<vmem>> -> memref<1x128xi32, #tpu.memory_space<vmem>>
    %dma_start3A_145 = tpu.memref_squeeze %dma_start3A_144 : memref<1x128xi32, #tpu.memory_space<vmem>> -> memref<128xi32, #tpu.memory_space<vmem>>
    %dma_start3A_146 = arith.constant 0 : i32
    %dma_start3A_147 = arith.constant 0 : i32
    %dma_start3A_148 = tpu.memref_slice %arg7[%dma_start3A_146, %dma_start3A_147] : memref<100000x64xf32, #tpu.memory_space<hbm>> -> memref<100000x64xf32, #tpu.memory_space<hbm>>
    tpu.enqueue_indirect_dma source(%dma_start3A_148 : memref<100000x64xf32, #tpu.memory_space<hbm>>) target(%arg17 : memref<128x64xf32, #tpu.memory_space<vmem>>) offsets(%dma_start3A_145 : memref<128xi32, #tpu.memory_space<vmem>>) semaphore(%arg21 : memref<!tpu.dma_semaphore, #tpu.memory_space<semaphore_mem>>)
    %add3A_149 = arith.constant 2 : i32
    %add3A_150 = arith.addi %mul3A_2, %add3A_149 : i32
    %mul3A_151 = arith.constant 128 : i32
    %mul3A_152 = arith.muli %add3A_150, %mul3A_151 : i32
    %dma_wait3A_153 = arith.constant 2 : i32
    %dma_wait3A_154 = arith.constant 0 : i32
    %dma_wait3A_155 = tpu.memref_slice %arg12[%dma_wait3A_153, %dma_wait3A_154] : memref<4x128xi32, #tpu.memory_space<vmem>> -> memref<1x128xi32, #tpu.memory_space<vmem>>
    %dma_wait3A_156 = tpu.memref_squeeze %dma_wait3A_155 : memref<1x128xi32, #tpu.memory_space<vmem>> -> memref<128xi32, #tpu.memory_space<vmem>>
    %dma_wait3A_157 = arith.constant 0 : i32
    %dma_wait3A_158 = arith.constant 0 : i32
    %dma_wait3A_159 = tpu.memref_slice %arg4[%dma_wait3A_157, %dma_wait3A_158] : memref<100000x64xf32, #tpu.memory_space<hbm>> -> memref<100000x64xf32, #tpu.memory_space<hbm>>
    tpu.wait_indirect_dma semaphore(%arg18 : memref<!tpu.dma_semaphore, #tpu.memory_space<semaphore_mem>>) src(%dma_wait3A_159 : memref<100000x64xf32, #tpu.memory_space<hbm>>) dst(%arg14 : memref<128x64xf32, #tpu.memory_space<vmem>>)
    "tpu.region"() ({
      %run_scoped3A = tpu.sem_alloc : memref<!tpu.dma_semaphore, #tpu.memory_space<semaphore_mem>>
      %dma_start3A_241 = arith.constant 0 : i32
      %dma_start3A_242 = tpu.memref_slice %arg8[%mul3A_152, %dma_start3A_241] : memref<16384x64xf32, #tpu.memory_space<hbm>> -> memref<128x64xf32, #tpu.memory_space<hbm>>
      %dma_start3A_243 = arith.constant 0 : i32
      %dma_start3A_244 = tpu.memref_slice %arg8[%mul3A_152, %dma_start3A_243] : memref<16384x64xf32, #tpu.memory_space<hbm>> -> memref<128x64xf32, #tpu.memory_space<hbm>>
      tpu.enqueue_dma source(%arg14 : memref<128x64xf32, #tpu.memory_space<vmem>>) target(%dma_start3A_244 : memref<128x64xf32, #tpu.memory_space<hbm>>) target_semaphore(%run_scoped3A : memref<!tpu.dma_semaphore, #tpu.memory_space<semaphore_mem>>)
      %dma_wait3A_245 = arith.constant 0 : i32
      %dma_wait3A_246 = tpu.memref_slice %arg8[%mul3A_152, %dma_wait3A_245] : memref<16384x64xf32, #tpu.memory_space<hbm>> -> memref<128x64xf32, #tpu.memory_space<hbm>>
      %dma_wait3A_247 = arith.constant 0 : i32
      %dma_wait3A_248 = tpu.memref_slice %arg8[%mul3A_152, %dma_wait3A_247] : memref<16384x64xf32, #tpu.memory_space<hbm>> -> memref<128x64xf32, #tpu.memory_space<hbm>>
      tpu.wait_dma2 semaphore(%run_scoped3A : memref<!tpu.dma_semaphore, #tpu.memory_space<semaphore_mem>>) src(%arg14 : memref<128x64xf32, #tpu.memory_space<vmem>>) dst(%dma_wait3A_248 : memref<128x64xf32, #tpu.memory_space<hbm>>)
      tpu.yield
    }) : () -> ()
    %dma_wait3A_160 = arith.constant 2 : i32
    %dma_wait3A_161 = arith.constant 0 : i32
    %dma_wait3A_162 = tpu.memref_slice %arg13[%dma_wait3A_160, %dma_wait3A_161] : memref<4x128xi32, #tpu.memory_space<vmem>> -> memref<1x128xi32, #tpu.memory_space<vmem>>
    %dma_wait3A_163 = tpu.memref_squeeze %dma_wait3A_162 : memref<1x128xi32, #tpu.memory_space<vmem>> -> memref<128xi32, #tpu.memory_space<vmem>>
    %dma_wait3A_164 = arith.constant 0 : i32
    %dma_wait3A_165 = arith.constant 0 : i32
    %dma_wait3A_166 = tpu.memref_slice %arg5[%dma_wait3A_164, %dma_wait3A_165] : memref<100000x64xf32, #tpu.memory_space<hbm>> -> memref<100000x64xf32, #tpu.memory_space<hbm>>
    tpu.wait_indirect_dma semaphore(%arg19 : memref<!tpu.dma_semaphore, #tpu.memory_space<semaphore_mem>>) src(%dma_wait3A_166 : memref<100000x64xf32, #tpu.memory_space<hbm>>) dst(%arg15 : memref<128x64xf32, #tpu.memory_space<vmem>>)
    "tpu.region"() ({
      %run_scoped3A = tpu.sem_alloc : memref<!tpu.dma_semaphore, #tpu.memory_space<semaphore_mem>>
      %dma_start3A_241 = arith.constant 0 : i32
      %dma_start3A_242 = tpu.memref_slice %arg9[%mul3A_152, %dma_start3A_241] : memref<16384x64xf32, #tpu.memory_space<hbm>> -> memref<128x64xf32, #tpu.memory_space<hbm>>
      %dma_start3A_243 = arith.constant 0 : i32
      %dma_start3A_244 = tpu.memref_slice %arg9[%mul3A_152, %dma_start3A_243] : memref<16384x64xf32, #tpu.memory_space<hbm>> -> memref<128x64xf32, #tpu.memory_space<hbm>>
      tpu.enqueue_dma source(%arg15 : memref<128x64xf32, #tpu.memory_space<vmem>>) target(%dma_start3A_244 : memref<128x64xf32, #tpu.memory_space<hbm>>) target_semaphore(%run_scoped3A : memref<!tpu.dma_semaphore, #tpu.memory_space<semaphore_mem>>)
      %dma_wait3A_245 = arith.constant 0 : i32
      %dma_wait3A_246 = tpu.memref_slice %arg9[%mul3A_152, %dma_wait3A_245] : memref<16384x64xf32, #tpu.memory_space<hbm>> -> memref<128x64xf32, #tpu.memory_space<hbm>>
      %dma_wait3A_247 = arith.constant 0 : i32
      %dma_wait3A_248 = tpu.memref_slice %arg9[%mul3A_152, %dma_wait3A_247] : memref<16384x64xf32, #tpu.memory_space<hbm>> -> memref<128x64xf32, #tpu.memory_space<hbm>>
      tpu.wait_dma2 semaphore(%run_scoped3A : memref<!tpu.dma_semaphore, #tpu.memory_space<semaphore_mem>>) src(%arg15 : memref<128x64xf32, #tpu.memory_space<vmem>>) dst(%dma_wait3A_248 : memref<128x64xf32, #tpu.memory_space<hbm>>)
      tpu.yield
    }) : () -> ()
    %dma_wait3A_167 = arith.constant 2 : i32
    %dma_wait3A_168 = arith.constant 0 : i32
    %dma_wait3A_169 = tpu.memref_slice %arg12[%dma_wait3A_167, %dma_wait3A_168] : memref<4x128xi32, #tpu.memory_space<vmem>> -> memref<1x128xi32, #tpu.memory_space<vmem>>
    %dma_wait3A_170 = tpu.memref_squeeze %dma_wait3A_169 : memref<1x128xi32, #tpu.memory_space<vmem>> -> memref<128xi32, #tpu.memory_space<vmem>>
    %dma_wait3A_171 = arith.constant 0 : i32
    %dma_wait3A_172 = arith.constant 0 : i32
    %dma_wait3A_173 = tpu.memref_slice %arg6[%dma_wait3A_171, %dma_wait3A_172] : memref<100000x64xf32, #tpu.memory_space<hbm>> -> memref<100000x64xf32, #tpu.memory_space<hbm>>
    tpu.wait_indirect_dma semaphore(%arg20 : memref<!tpu.dma_semaphore, #tpu.memory_space<semaphore_mem>>) src(%dma_wait3A_173 : memref<100000x64xf32, #tpu.memory_space<hbm>>) dst(%arg16 : memref<128x64xf32, #tpu.memory_space<vmem>>)
    "tpu.region"() ({
      %run_scoped3A = tpu.sem_alloc : memref<!tpu.dma_semaphore, #tpu.memory_space<semaphore_mem>>
      %dma_start3A_241 = arith.constant 0 : i32
      %dma_start3A_242 = tpu.memref_slice %arg10[%mul3A_152, %dma_start3A_241] : memref<16384x64xf32, #tpu.memory_space<hbm>> -> memref<128x64xf32, #tpu.memory_space<hbm>>
      %dma_start3A_243 = arith.constant 0 : i32
      %dma_start3A_244 = tpu.memref_slice %arg10[%mul3A_152, %dma_start3A_243] : memref<16384x64xf32, #tpu.memory_space<hbm>> -> memref<128x64xf32, #tpu.memory_space<hbm>>
      tpu.enqueue_dma source(%arg16 : memref<128x64xf32, #tpu.memory_space<vmem>>) target(%dma_start3A_244 : memref<128x64xf32, #tpu.memory_space<hbm>>) target_semaphore(%run_scoped3A : memref<!tpu.dma_semaphore, #tpu.memory_space<semaphore_mem>>)
      %dma_wait3A_245 = arith.constant 0 : i32
      %dma_wait3A_246 = tpu.memref_slice %arg10[%mul3A_152, %dma_wait3A_245] : memref<16384x64xf32, #tpu.memory_space<hbm>> -> memref<128x64xf32, #tpu.memory_space<hbm>>
      %dma_wait3A_247 = arith.constant 0 : i32
      %dma_wait3A_248 = tpu.memref_slice %arg10[%mul3A_152, %dma_wait3A_247] : memref<16384x64xf32, #tpu.memory_space<hbm>> -> memref<128x64xf32, #tpu.memory_space<hbm>>
      tpu.wait_dma2 semaphore(%run_scoped3A : memref<!tpu.dma_semaphore, #tpu.memory_space<semaphore_mem>>) src(%arg16 : memref<128x64xf32, #tpu.memory_space<vmem>>) dst(%dma_wait3A_248 : memref<128x64xf32, #tpu.memory_space<hbm>>)
      tpu.yield
    }) : () -> ()
    %dma_wait3A_174 = arith.constant 2 : i32
    %dma_wait3A_175 = arith.constant 0 : i32
    %dma_wait3A_176 = tpu.memref_slice %arg13[%dma_wait3A_174, %dma_wait3A_175] : memref<4x128xi32, #tpu.memory_space<vmem>> -> memref<1x128xi32, #tpu.memory_space<vmem>>
    %dma_wait3A_177 = tpu.memref_squeeze %dma_wait3A_176 : memref<1x128xi32, #tpu.memory_space<vmem>> -> memref<128xi32, #tpu.memory_space<vmem>>
    %dma_wait3A_178 = arith.constant 0 : i32
    %dma_wait3A_179 = arith.constant 0 : i32
    %dma_wait3A_180 = tpu.memref_slice %arg7[%dma_wait3A_178, %dma_wait3A_179] : memref<100000x64xf32, #tpu.memory_space<hbm>> -> memref<100000x64xf32, #tpu.memory_space<hbm>>
    tpu.wait_indirect_dma semaphore(%arg21 : memref<!tpu.dma_semaphore, #tpu.memory_space<semaphore_mem>>) src(%dma_wait3A_180 : memref<100000x64xf32, #tpu.memory_space<hbm>>) dst(%arg17 : memref<128x64xf32, #tpu.memory_space<vmem>>)
    "tpu.region"() ({
      %run_scoped3A = tpu.sem_alloc : memref<!tpu.dma_semaphore, #tpu.memory_space<semaphore_mem>>
      %dma_start3A_241 = arith.constant 0 : i32
      %dma_start3A_242 = tpu.memref_slice %arg11[%mul3A_152, %dma_start3A_241] : memref<16384x64xf32, #tpu.memory_space<hbm>> -> memref<128x64xf32, #tpu.memory_space<hbm>>
      %dma_start3A_243 = arith.constant 0 : i32
      %dma_start3A_244 = tpu.memref_slice %arg11[%mul3A_152, %dma_start3A_243] : memref<16384x64xf32, #tpu.memory_space<hbm>> -> memref<128x64xf32, #tpu.memory_space<hbm>>
      tpu.enqueue_dma source(%arg17 : memref<128x64xf32, #tpu.memory_space<vmem>>) target(%dma_start3A_244 : memref<128x64xf32, #tpu.memory_space<hbm>>) target_semaphore(%run_scoped3A : memref<!tpu.dma_semaphore, #tpu.memory_space<semaphore_mem>>)
      %dma_wait3A_245 = arith.constant 0 : i32
      %dma_wait3A_246 = tpu.memref_slice %arg11[%mul3A_152, %dma_wait3A_245] : memref<16384x64xf32, #tpu.memory_space<hbm>> -> memref<128x64xf32, #tpu.memory_space<hbm>>
      %dma_wait3A_247 = arith.constant 0 : i32
      %dma_wait3A_248 = tpu.memref_slice %arg11[%mul3A_152, %dma_wait3A_247] : memref<16384x64xf32, #tpu.memory_space<hbm>> -> memref<128x64xf32, #tpu.memory_space<hbm>>
      tpu.wait_dma2 semaphore(%run_scoped3A : memref<!tpu.dma_semaphore, #tpu.memory_space<semaphore_mem>>) src(%arg17 : memref<128x64xf32, #tpu.memory_space<vmem>>) dst(%dma_wait3A_248 : memref<128x64xf32, #tpu.memory_space<hbm>>)
      tpu.yield
    }) : () -> ()
    %dma_start3A_181 = arith.constant 3 : i32
    %dma_start3A_182 = arith.constant 0 : i32
    %dma_start3A_183 = tpu.memref_slice %arg12[%dma_start3A_181, %dma_start3A_182] : memref<4x128xi32, #tpu.memory_space<vmem>> -> memref<1x128xi32, #tpu.memory_space<vmem>>
    %dma_start3A_184 = tpu.memref_squeeze %dma_start3A_183 : memref<1x128xi32, #tpu.memory_space<vmem>> -> memref<128xi32, #tpu.memory_space<vmem>>
    %dma_start3A_185 = arith.constant 0 : i32
    %dma_start3A_186 = arith.constant 0 : i32
    %dma_start3A_187 = tpu.memref_slice %arg4[%dma_start3A_185, %dma_start3A_186] : memref<100000x64xf32, #tpu.memory_space<hbm>> -> memref<100000x64xf32, #tpu.memory_space<hbm>>
    tpu.enqueue_indirect_dma source(%dma_start3A_187 : memref<100000x64xf32, #tpu.memory_space<hbm>>) target(%arg14 : memref<128x64xf32, #tpu.memory_space<vmem>>) offsets(%dma_start3A_184 : memref<128xi32, #tpu.memory_space<vmem>>) semaphore(%arg18 : memref<!tpu.dma_semaphore, #tpu.memory_space<semaphore_mem>>)
    %dma_start3A_188 = arith.constant 3 : i32
    %dma_start3A_189 = arith.constant 0 : i32
    %dma_start3A_190 = tpu.memref_slice %arg13[%dma_start3A_188, %dma_start3A_189] : memref<4x128xi32, #tpu.memory_space<vmem>> -> memref<1x128xi32, #tpu.memory_space<vmem>>
    %dma_start3A_191 = tpu.memref_squeeze %dma_start3A_190 : memref<1x128xi32, #tpu.memory_space<vmem>> -> memref<128xi32, #tpu.memory_space<vmem>>
    %dma_start3A_192 = arith.constant 0 : i32
    %dma_start3A_193 = arith.constant 0 : i32
    %dma_start3A_194 = tpu.memref_slice %arg5[%dma_start3A_192, %dma_start3A_193] : memref<100000x64xf32, #tpu.memory_space<hbm>> -> memref<100000x64xf32, #tpu.memory_space<hbm>>
    tpu.enqueue_indirect_dma source(%dma_start3A_194 : memref<100000x64xf32, #tpu.memory_space<hbm>>) target(%arg15 : memref<128x64xf32, #tpu.memory_space<vmem>>) offsets(%dma_start3A_191 : memref<128xi32, #tpu.memory_space<vmem>>) semaphore(%arg19 : memref<!tpu.dma_semaphore, #tpu.memory_space<semaphore_mem>>)
    %dma_start3A_195 = arith.constant 3 : i32
    %dma_start3A_196 = arith.constant 0 : i32
    %dma_start3A_197 = tpu.memref_slice %arg12[%dma_start3A_195, %dma_start3A_196] : memref<4x128xi32, #tpu.memory_space<vmem>> -> memref<1x128xi32, #tpu.memory_space<vmem>>
    %dma_start3A_198 = tpu.memref_squeeze %dma_start3A_197 : memref<1x128xi32, #tpu.memory_space<vmem>> -> memref<128xi32, #tpu.memory_space<vmem>>
    %dma_start3A_199 = arith.constant 0 : i32
    %dma_start3A_200 = arith.constant 0 : i32
    %dma_start3A_201 = tpu.memref_slice %arg6[%dma_start3A_199, %dma_start3A_200] : memref<100000x64xf32, #tpu.memory_space<hbm>> -> memref<100000x64xf32, #tpu.memory_space<hbm>>
    tpu.enqueue_indirect_dma source(%dma_start3A_201 : memref<100000x64xf32, #tpu.memory_space<hbm>>) target(%arg16 : memref<128x64xf32, #tpu.memory_space<vmem>>) offsets(%dma_start3A_198 : memref<128xi32, #tpu.memory_space<vmem>>) semaphore(%arg20 : memref<!tpu.dma_semaphore, #tpu.memory_space<semaphore_mem>>)
    %dma_start3A_202 = arith.constant 3 : i32
    %dma_start3A_203 = arith.constant 0 : i32
    %dma_start3A_204 = tpu.memref_slice %arg13[%dma_start3A_202, %dma_start3A_203] : memref<4x128xi32, #tpu.memory_space<vmem>> -> memref<1x128xi32, #tpu.memory_space<vmem>>
    %dma_start3A_205 = tpu.memref_squeeze %dma_start3A_204 : memref<1x128xi32, #tpu.memory_space<vmem>> -> memref<128xi32, #tpu.memory_space<vmem>>
    %dma_start3A_206 = arith.constant 0 : i32
    %dma_start3A_207 = arith.constant 0 : i32
    %dma_start3A_208 = tpu.memref_slice %arg7[%dma_start3A_206, %dma_start3A_207] : memref<100000x64xf32, #tpu.memory_space<hbm>> -> memref<100000x64xf32, #tpu.memory_space<hbm>>
    tpu.enqueue_indirect_dma source(%dma_start3A_208 : memref<100000x64xf32, #tpu.memory_space<hbm>>) target(%arg17 : memref<128x64xf32, #tpu.memory_space<vmem>>) offsets(%dma_start3A_205 : memref<128xi32, #tpu.memory_space<vmem>>) semaphore(%arg21 : memref<!tpu.dma_semaphore, #tpu.memory_space<semaphore_mem>>)
    %add3A_209 = arith.constant 3 : i32
    %add3A_210 = arith.addi %mul3A_2, %add3A_209 : i32
    %mul3A_211 = arith.constant 128 : i32
    %mul3A_212 = arith.muli %add3A_210, %mul3A_211 : i32
    %dma_wait3A_213 = arith.constant 3 : i32
    %dma_wait3A_214 = arith.constant 0 : i32
    %dma_wait3A_215 = tpu.memref_slice %arg12[%dma_wait3A_213, %dma_wait3A_214] : memref<4x128xi32, #tpu.memory_space<vmem>> -> memref<1x128xi32, #tpu.memory_space<vmem>>
    %dma_wait3A_216 = tpu.memref_squeeze %dma_wait3A_215 : memref<1x128xi32, #tpu.memory_space<vmem>> -> memref<128xi32, #tpu.memory_space<vmem>>
    %dma_wait3A_217 = arith.constant 0 : i32
    %dma_wait3A_218 = arith.constant 0 : i32
    %dma_wait3A_219 = tpu.memref_slice %arg4[%dma_wait3A_217, %dma_wait3A_218] : memref<100000x64xf32, #tpu.memory_space<hbm>> -> memref<100000x64xf32, #tpu.memory_space<hbm>>
    tpu.wait_indirect_dma semaphore(%arg18 : memref<!tpu.dma_semaphore, #tpu.memory_space<semaphore_mem>>) src(%dma_wait3A_219 : memref<100000x64xf32, #tpu.memory_space<hbm>>) dst(%arg14 : memref<128x64xf32, #tpu.memory_space<vmem>>)
    "tpu.region"() ({
      %run_scoped3A = tpu.sem_alloc : memref<!tpu.dma_semaphore, #tpu.memory_space<semaphore_mem>>
      %dma_start3A_241 = arith.constant 0 : i32
      %dma_start3A_242 = tpu.memref_slice %arg8[%mul3A_212, %dma_start3A_241] : memref<16384x64xf32, #tpu.memory_space<hbm>> -> memref<128x64xf32, #tpu.memory_space<hbm>>
      %dma_start3A_243 = arith.constant 0 : i32
      %dma_start3A_244 = tpu.memref_slice %arg8[%mul3A_212, %dma_start3A_243] : memref<16384x64xf32, #tpu.memory_space<hbm>> -> memref<128x64xf32, #tpu.memory_space<hbm>>
      tpu.enqueue_dma source(%arg14 : memref<128x64xf32, #tpu.memory_space<vmem>>) target(%dma_start3A_244 : memref<128x64xf32, #tpu.memory_space<hbm>>) target_semaphore(%run_scoped3A : memref<!tpu.dma_semaphore, #tpu.memory_space<semaphore_mem>>)
      %dma_wait3A_245 = arith.constant 0 : i32
      %dma_wait3A_246 = tpu.memref_slice %arg8[%mul3A_212, %dma_wait3A_245] : memref<16384x64xf32, #tpu.memory_space<hbm>> -> memref<128x64xf32, #tpu.memory_space<hbm>>
      %dma_wait3A_247 = arith.constant 0 : i32
      %dma_wait3A_248 = tpu.memref_slice %arg8[%mul3A_212, %dma_wait3A_247] : memref<16384x64xf32, #tpu.memory_space<hbm>> -> memref<128x64xf32, #tpu.memory_space<hbm>>
      tpu.wait_dma2 semaphore(%run_scoped3A : memref<!tpu.dma_semaphore, #tpu.memory_space<semaphore_mem>>) src(%arg14 : memref<128x64xf32, #tpu.memory_space<vmem>>) dst(%dma_wait3A_248 : memref<128x64xf32, #tpu.memory_space<hbm>>)
      tpu.yield
    }) : () -> ()
    %dma_wait3A_220 = arith.constant 3 : i32
    %dma_wait3A_221 = arith.constant 0 : i32
    %dma_wait3A_222 = tpu.memref_slice %arg13[%dma_wait3A_220, %dma_wait3A_221] : memref<4x128xi32, #tpu.memory_space<vmem>> -> memref<1x128xi32, #tpu.memory_space<vmem>>
    %dma_wait3A_223 = tpu.memref_squeeze %dma_wait3A_222 : memref<1x128xi32, #tpu.memory_space<vmem>> -> memref<128xi32, #tpu.memory_space<vmem>>
    %dma_wait3A_224 = arith.constant 0 : i32
    %dma_wait3A_225 = arith.constant 0 : i32
    %dma_wait3A_226 = tpu.memref_slice %arg5[%dma_wait3A_224, %dma_wait3A_225] : memref<100000x64xf32, #tpu.memory_space<hbm>> -> memref<100000x64xf32, #tpu.memory_space<hbm>>
    tpu.wait_indirect_dma semaphore(%arg19 : memref<!tpu.dma_semaphore, #tpu.memory_space<semaphore_mem>>) src(%dma_wait3A_226 : memref<100000x64xf32, #tpu.memory_space<hbm>>) dst(%arg15 : memref<128x64xf32, #tpu.memory_space<vmem>>)
    "tpu.region"() ({
      %run_scoped3A = tpu.sem_alloc : memref<!tpu.dma_semaphore, #tpu.memory_space<semaphore_mem>>
      %dma_start3A_241 = arith.constant 0 : i32
      %dma_start3A_242 = tpu.memref_slice %arg9[%mul3A_212, %dma_start3A_241] : memref<16384x64xf32, #tpu.memory_space<hbm>> -> memref<128x64xf32, #tpu.memory_space<hbm>>
      %dma_start3A_243 = arith.constant 0 : i32
      %dma_start3A_244 = tpu.memref_slice %arg9[%mul3A_212, %dma_start3A_243] : memref<16384x64xf32, #tpu.memory_space<hbm>> -> memref<128x64xf32, #tpu.memory_space<hbm>>
      tpu.enqueue_dma source(%arg15 : memref<128x64xf32, #tpu.memory_space<vmem>>) target(%dma_start3A_244 : memref<128x64xf32, #tpu.memory_space<hbm>>) target_semaphore(%run_scoped3A : memref<!tpu.dma_semaphore, #tpu.memory_space<semaphore_mem>>)
      %dma_wait3A_245 = arith.constant 0 : i32
      %dma_wait3A_246 = tpu.memref_slice %arg9[%mul3A_212, %dma_wait3A_245] : memref<16384x64xf32, #tpu.memory_space<hbm>> -> memref<128x64xf32, #tpu.memory_space<hbm>>
      %dma_wait3A_247 = arith.constant 0 : i32
      %dma_wait3A_248 = tpu.memref_slice %arg9[%mul3A_212, %dma_wait3A_247] : memref<16384x64xf32, #tpu.memory_space<hbm>> -> memref<128x64xf32, #tpu.memory_space<hbm>>
      tpu.wait_dma2 semaphore(%run_scoped3A : memref<!tpu.dma_semaphore, #tpu.memory_space<semaphore_mem>>) src(%arg15 : memref<128x64xf32, #tpu.memory_space<vmem>>) dst(%dma_wait3A_248 : memref<128x64xf32, #tpu.memory_space<hbm>>)
      tpu.yield
    }) : () -> ()
    %dma_wait3A_227 = arith.constant 3 : i32
    %dma_wait3A_228 = arith.constant 0 : i32
    %dma_wait3A_229 = tpu.memref_slice %arg12[%dma_wait3A_227, %dma_wait3A_228] : memref<4x128xi32, #tpu.memory_space<vmem>> -> memref<1x128xi32, #tpu.memory_space<vmem>>
    %dma_wait3A_230 = tpu.memref_squeeze %dma_wait3A_229 : memref<1x128xi32, #tpu.memory_space<vmem>> -> memref<128xi32, #tpu.memory_space<vmem>>
    %dma_wait3A_231 = arith.constant 0 : i32
    %dma_wait3A_232 = arith.constant 0 : i32
    %dma_wait3A_233 = tpu.memref_slice %arg6[%dma_wait3A_231, %dma_wait3A_232] : memref<100000x64xf32, #tpu.memory_space<hbm>> -> memref<100000x64xf32, #tpu.memory_space<hbm>>
    tpu.wait_indirect_dma semaphore(%arg20 : memref<!tpu.dma_semaphore, #tpu.memory_space<semaphore_mem>>) src(%dma_wait3A_233 : memref<100000x64xf32, #tpu.memory_space<hbm>>) dst(%arg16 : memref<128x64xf32, #tpu.memory_space<vmem>>)
    "tpu.region"() ({
      %run_scoped3A = tpu.sem_alloc : memref<!tpu.dma_semaphore, #tpu.memory_space<semaphore_mem>>
      %dma_start3A_241 = arith.constant 0 : i32
      %dma_start3A_242 = tpu.memref_slice %arg10[%mul3A_212, %dma_start3A_241] : memref<16384x64xf32, #tpu.memory_space<hbm>> -> memref<128x64xf32, #tpu.memory_space<hbm>>
      %dma_start3A_243 = arith.constant 0 : i32
      %dma_start3A_244 = tpu.memref_slice %arg10[%mul3A_212, %dma_start3A_243] : memref<16384x64xf32, #tpu.memory_space<hbm>> -> memref<128x64xf32, #tpu.memory_space<hbm>>
      tpu.enqueue_dma source(%arg16 : memref<128x64xf32, #tpu.memory_space<vmem>>) target(%dma_start3A_244 : memref<128x64xf32, #tpu.memory_space<hbm>>) target_semaphore(%run_scoped3A : memref<!tpu.dma_semaphore, #tpu.memory_space<semaphore_mem>>)
      %dma_wait3A_245 = arith.constant 0 : i32
      %dma_wait3A_246 = tpu.memref_slice %arg10[%mul3A_212, %dma_wait3A_245] : memref<16384x64xf32, #tpu.memory_space<hbm>> -> memref<128x64xf32, #tpu.memory_space<hbm>>
      %dma_wait3A_247 = arith.constant 0 : i32
      %dma_wait3A_248 = tpu.memref_slice %arg10[%mul3A_212, %dma_wait3A_247] : memref<16384x64xf32, #tpu.memory_space<hbm>> -> memref<128x64xf32, #tpu.memory_space<hbm>>
      tpu.wait_dma2 semaphore(%run_scoped3A : memref<!tpu.dma_semaphore, #tpu.memory_space<semaphore_mem>>) src(%arg16 : memref<128x64xf32, #tpu.memory_space<vmem>>) dst(%dma_wait3A_248 : memref<128x64xf32, #tpu.memory_space<hbm>>)
      tpu.yield
    }) : () -> ()
    %dma_wait3A_234 = arith.constant 3 : i32
    %dma_wait3A_235 = arith.constant 0 : i32
    %dma_wait3A_236 = tpu.memref_slice %arg13[%dma_wait3A_234, %dma_wait3A_235] : memref<4x128xi32, #tpu.memory_space<vmem>> -> memref<1x128xi32, #tpu.memory_space<vmem>>
    %dma_wait3A_237 = tpu.memref_squeeze %dma_wait3A_236 : memref<1x128xi32, #tpu.memory_space<vmem>> -> memref<128xi32, #tpu.memory_space<vmem>>
    %dma_wait3A_238 = arith.constant 0 : i32
    %dma_wait3A_239 = arith.constant 0 : i32
    %dma_wait3A_240 = tpu.memref_slice %arg7[%dma_wait3A_238, %dma_wait3A_239] : memref<100000x64xf32, #tpu.memory_space<hbm>> -> memref<100000x64xf32, #tpu.memory_space<hbm>>
    tpu.wait_indirect_dma semaphore(%arg21 : memref<!tpu.dma_semaphore, #tpu.memory_space<semaphore_mem>>) src(%dma_wait3A_240 : memref<100000x64xf32, #tpu.memory_space<hbm>>) dst(%arg17 : memref<128x64xf32, #tpu.memory_space<vmem>>)
    "tpu.region"() ({
      %run_scoped3A = tpu.sem_alloc : memref<!tpu.dma_semaphore, #tpu.memory_space<semaphore_mem>>
      %dma_start3A_241 = arith.constant 0 : i32
      %dma_start3A_242 = tpu.memref_slice %arg11[%mul3A_212, %dma_start3A_241] : memref<16384x64xf32, #tpu.memory_space<hbm>> -> memref<128x64xf32, #tpu.memory_space<hbm>>
      %dma_start3A_243 = arith.constant 0 : i32
      %dma_start3A_244 = tpu.memref_slice %arg11[%mul3A_212, %dma_start3A_243] : memref<16384x64xf32, #tpu.memory_space<hbm>> -> memref<128x64xf32, #tpu.memory_space<hbm>>
      tpu.enqueue_dma source(%arg17 : memref<128x64xf32, #tpu.memory_space<vmem>>) target(%dma_start3A_244 : memref<128x64xf32, #tpu.memory_space<hbm>>) target_semaphore(%run_scoped3A : memref<!tpu.dma_semaphore, #tpu.memory_space<semaphore_mem>>)
      %dma_wait3A_245 = arith.constant 0 : i32
      %dma_wait3A_246 = tpu.memref_slice %arg11[%mul3A_212, %dma_wait3A_245] : memref<16384x64xf32, #tpu.memory_space<hbm>> -> memref<128x64xf32, #tpu.memory_space<hbm>>
      %dma_wait3A_247 = arith.constant 0 : i32
      %dma_wait3A_248 = tpu.memref_slice %arg11[%mul3A_212, %dma_wait3A_247] : memref<16384x64xf32, #tpu.memory_space<hbm>> -> memref<128x64xf32, #tpu.memory_space<hbm>>
      tpu.wait_dma2 semaphore(%run_scoped3A : memref<!tpu.dma_semaphore, #tpu.memory_space<semaphore_mem>>) src(%arg17 : memref<128x64xf32, #tpu.memory_space<vmem>>) dst(%dma_wait3A_248 : memref<128x64xf32, #tpu.memory_space<hbm>>)
      tpu.yield
    }) : () -> ()
    return
  }
}

module attributes {stable_mosaic.version = 14 : i64} {
  func.func @_mlp_body(%arg0: i32, %arg1: memref<2048x64xf32, #tpu.memory_space<vmem>>, %arg2: memref<2048x64xf32, #tpu.memory_space<vmem>>, %arg3: memref<2048x64xf32, #tpu.memory_space<vmem>>, %arg4: memref<2048x64xf32, #tpu.memory_space<vmem>>, %arg5: memref<64x128xf32, #tpu.memory_space<vmem>>, %arg6: memref<64x128xf32, #tpu.memory_space<vmem>>, %arg7: memref<1x128xf32, #tpu.memory_space<vmem>>, %arg8: memref<128x64xf32, #tpu.memory_space<vmem>>, %arg9: memref<1x64xf32, #tpu.memory_space<vmem>>, %arg10: memref<64x32xf32, #tpu.memory_space<vmem>>, %arg11: memref<1x32xf32, #tpu.memory_space<vmem>>, %arg12: memref<64x1xf32, #tpu.memory_space<vmem>>, %arg13: memref<32x1xf32, #tpu.memory_space<vmem>>, %arg14: memref<1x1xf32, #tpu.memory_space<vmem>>, %arg15: memref<2048x1xf32, #tpu.memory_space<vmem>>) attributes {dimension_semantics = [#tpu.dimension_semantics<arbitrary>], iteration_bounds = array<i64: 8>, scalar_prefetch = 0 : i64, scratch_operands = 0 : i64, tpu.core_type = #tpu.core_type<tc>, window_params = [{transform_indices = @transform_0, window_bounds = array<i64: 2048, 64>}, {transform_indices = @transform_1, window_bounds = array<i64: 2048, 64>}, {transform_indices = @transform_2, window_bounds = array<i64: 2048, 64>}, {transform_indices = @transform_3, window_bounds = array<i64: 2048, 64>}, {pipeline_mode = #tpu.pipeline_mode<synchronous>, transform_indices = @transform_4, window_bounds = array<i64: 64, 128>}, {pipeline_mode = #tpu.pipeline_mode<synchronous>, transform_indices = @transform_5, window_bounds = array<i64: 64, 128>}, {pipeline_mode = #tpu.pipeline_mode<synchronous>, transform_indices = @transform_6, window_bounds = array<i64: 1, 128>}, {pipeline_mode = #tpu.pipeline_mode<synchronous>, transform_indices = @transform_7, window_bounds = array<i64: 128, 64>}, {pipeline_mode = #tpu.pipeline_mode<synchronous>, transform_indices = @transform_8, window_bounds = array<i64: 1, 64>}, {pipeline_mode = #tpu.pipeline_mode<synchronous>, transform_indices = @transform_9, window_bounds = array<i64: 64, 32>}, {pipeline_mode = #tpu.pipeline_mode<synchronous>, transform_indices = @transform_10, window_bounds = array<i64: 1, 32>}, {pipeline_mode = #tpu.pipeline_mode<synchronous>, transform_indices = @transform_11, window_bounds = array<i64: 64, 1>}, {pipeline_mode = #tpu.pipeline_mode<synchronous>, transform_indices = @transform_12, window_bounds = array<i64: 32, 1>}, {pipeline_mode = #tpu.pipeline_mode<synchronous>, transform_indices = @transform_13, window_bounds = array<i64: 1, 1>}, {transform_indices = @transform_14, window_bounds = array<i64: 2048, 1>}]} {
    %get3A = arith.constant 0 : index
    %get3A_0 = arith.constant 0 : index
    %get3A_1 = vector.load %arg3[%get3A, %get3A_0] : memref<2048x64xf32, #tpu.memory_space<vmem>>, vector<2048x64xf32>
    %get3A_2 = arith.constant 0 : index
    %get3A_3 = arith.constant 0 : index
    %get3A_4 = vector.load %arg5[%get3A_2, %get3A_3] : memref<64x128xf32, #tpu.memory_space<vmem>>, vector<64x128xf32>
    %dot_general3A = arith.constant dense<0.000000e+00> : vector<2048x128xf32>
    %dot_general3A_5 = tpu.matmul %get3A_1, %get3A_4, %dot_general3A {dimension_numbers = #tpu.dot_dimension_numbers<[1], [0], [0], [1], [0, 0, 1, 1], [], []>, transpose_lhs_hint = false} : vector<2048x64xf32>, vector<64x128xf32>, vector<2048x128xf32> -> vector<2048x128xf32>
    %get3A_6 = arith.constant 0 : index
    %get3A_7 = arith.constant 0 : index
    %get3A_8 = vector.load %arg4[%get3A_6, %get3A_7] : memref<2048x64xf32, #tpu.memory_space<vmem>>, vector<2048x64xf32>
    %get3A_9 = arith.constant 0 : index
    %get3A_10 = arith.constant 0 : index
    %get3A_11 = vector.load %arg6[%get3A_9, %get3A_10] : memref<64x128xf32, #tpu.memory_space<vmem>>, vector<64x128xf32>
    %dot_general3A_12 = arith.constant dense<0.000000e+00> : vector<2048x128xf32>
    %dot_general3A_13 = tpu.matmul %get3A_8, %get3A_11, %dot_general3A_12 {dimension_numbers = #tpu.dot_dimension_numbers<[1], [0], [0], [1], [0, 0, 1, 1], [], []>, transpose_lhs_hint = false} : vector<2048x64xf32>, vector<64x128xf32>, vector<2048x128xf32> -> vector<2048x128xf32>
    %add3A = arith.addf %dot_general3A_5, %dot_general3A_13 : vector<2048x128xf32>
    %get3A_14 = arith.constant 0 : index
    %get3A_15 = arith.constant 0 : index
    %get3A_16 = vector.load %arg7[%get3A_14, %get3A_15] : memref<1x128xf32, #tpu.memory_space<vmem>>, vector<1x128xf32>
    %add3A_17 = vector.broadcast %get3A_16 : vector<1x128xf32> to vector<2048x128xf32>
    %add3A_18 = arith.addf %add3A, %add3A_17 : vector<2048x128xf32>
    %max3A = arith.constant 0.000000e+00 : f32
    %max3A_19 = vector.broadcast %max3A : f32 to vector<2048x128xf32>
    %max3A_20 = arith.maximumf %add3A_18, %max3A_19 : vector<2048x128xf32>
    %get3A_21 = arith.constant 0 : index
    %get3A_22 = arith.constant 0 : index
    %get3A_23 = vector.load %arg8[%get3A_21, %get3A_22] : memref<128x64xf32, #tpu.memory_space<vmem>>, vector<128x64xf32>
    %dot_general3A_24 = arith.constant dense<0.000000e+00> : vector<2048x64xf32>
    %dot_general3A_25 = tpu.matmul %max3A_20, %get3A_23, %dot_general3A_24 {dimension_numbers = #tpu.dot_dimension_numbers<[1], [0], [0], [1], [0, 0, 1, 1], [], []>, transpose_lhs_hint = false} : vector<2048x128xf32>, vector<128x64xf32>, vector<2048x64xf32> -> vector<2048x64xf32>
    %get3A_26 = arith.constant 0 : index
    %get3A_27 = arith.constant 0 : index
    %get3A_28 = vector.load %arg9[%get3A_26, %get3A_27] : memref<1x64xf32, #tpu.memory_space<vmem>>, vector<1x64xf32>
    %add3A_29 = vector.broadcast %get3A_28 : vector<1x64xf32> to vector<2048x64xf32>
    %add3A_30 = arith.addf %dot_general3A_25, %add3A_29 : vector<2048x64xf32>
    %max3A_31 = arith.constant 0.000000e+00 : f32
    %max3A_32 = vector.broadcast %max3A_31 : f32 to vector<2048x64xf32>
    %max3A_33 = arith.maximumf %add3A_30, %max3A_32 : vector<2048x64xf32>
    %get3A_34 = arith.constant 0 : index
    %get3A_35 = arith.constant 0 : index
    %get3A_36 = vector.load %arg10[%get3A_34, %get3A_35] : memref<64x32xf32, #tpu.memory_space<vmem>>, vector<64x32xf32>
    %dot_general3A_37 = arith.constant dense<0.000000e+00> : vector<2048x32xf32>
    %dot_general3A_38 = tpu.matmul %max3A_33, %get3A_36, %dot_general3A_37 {dimension_numbers = #tpu.dot_dimension_numbers<[1], [0], [0], [1], [0, 0, 1, 1], [], []>, transpose_lhs_hint = false} : vector<2048x64xf32>, vector<64x32xf32>, vector<2048x32xf32> -> vector<2048x32xf32>
    %get3A_39 = arith.constant 0 : index
    %get3A_40 = arith.constant 0 : index
    %get3A_41 = vector.load %arg11[%get3A_39, %get3A_40] : memref<1x32xf32, #tpu.memory_space<vmem>>, vector<1x32xf32>
    %add3A_42 = vector.broadcast %get3A_41 : vector<1x32xf32> to vector<2048x32xf32>
    %add3A_43 = arith.addf %dot_general3A_38, %add3A_42 : vector<2048x32xf32>
    %max3A_44 = arith.constant 0.000000e+00 : f32
    %max3A_45 = vector.broadcast %max3A_44 : f32 to vector<2048x32xf32>
    %max3A_46 = arith.maximumf %add3A_43, %max3A_45 : vector<2048x32xf32>
    %get3A_47 = arith.constant 0 : index
    %get3A_48 = arith.constant 0 : index
    %get3A_49 = vector.load %arg1[%get3A_47, %get3A_48] : memref<2048x64xf32, #tpu.memory_space<vmem>>, vector<2048x64xf32>
    %get3A_50 = arith.constant 0 : index
    %get3A_51 = arith.constant 0 : index
    %get3A_52 = vector.load %arg2[%get3A_50, %get3A_51] : memref<2048x64xf32, #tpu.memory_space<vmem>>, vector<2048x64xf32>
    %mul3A = arith.mulf %get3A_49, %get3A_52 : vector<2048x64xf32>
    %get3A_53 = arith.constant 0 : index
    %get3A_54 = arith.constant 0 : index
    %get3A_55 = vector.load %arg12[%get3A_53, %get3A_54] : memref<64x1xf32, #tpu.memory_space<vmem>>, vector<64x1xf32>
    %dot_general3A_56 = arith.constant dense<0.000000e+00> : vector<2048x1xf32>
    %dot_general3A_57 = tpu.matmul %mul3A, %get3A_55, %dot_general3A_56 {dimension_numbers = #tpu.dot_dimension_numbers<[1], [0], [0], [1], [0, 0, 1, 1], [], []>, transpose_lhs_hint = false} : vector<2048x64xf32>, vector<64x1xf32>, vector<2048x1xf32> -> vector<2048x1xf32>
    %get3A_58 = arith.constant 0 : index
    %get3A_59 = arith.constant 0 : index
    %get3A_60 = vector.load %arg13[%get3A_58, %get3A_59] : memref<32x1xf32, #tpu.memory_space<vmem>>, vector<32x1xf32>
    %dot_general3A_61 = arith.constant dense<0.000000e+00> : vector<2048x1xf32>
    %dot_general3A_62 = tpu.matmul %max3A_46, %get3A_60, %dot_general3A_61 {dimension_numbers = #tpu.dot_dimension_numbers<[1], [0], [0], [1], [0, 0, 1, 1], [], []>, transpose_lhs_hint = false} : vector<2048x32xf32>, vector<32x1xf32>, vector<2048x1xf32> -> vector<2048x1xf32>
    %add3A_63 = arith.addf %dot_general3A_57, %dot_general3A_62 : vector<2048x1xf32>
    %get3A_64 = arith.constant 0 : index
    %get3A_65 = arith.constant 0 : index
    %get3A_66 = vector.load %arg14[%get3A_64, %get3A_65] : memref<1x1xf32, #tpu.memory_space<vmem>>, vector<1x1xf32>
    %add3A_67 = vector.broadcast %get3A_66 : vector<1x1xf32> to vector<2048x1xf32>
    %add3A_68 = arith.addf %add3A_63, %add3A_67 : vector<2048x1xf32>
    %neg3A = arith.constant 0.000000e+00 : f32
    %neg3A_69 = vector.broadcast %neg3A : f32 to vector<2048x1xf32>
    %neg3A_70 = arith.subf %neg3A_69, %add3A_68 : vector<2048x1xf32>
    %exp3A = math.exp %neg3A_70 : vector<2048x1xf32>
    %add3A_71 = arith.constant 1.000000e+00 : f32
    %add3A_72 = vector.broadcast %add3A_71 : f32 to vector<2048x1xf32>
    %add3A_73 = arith.addf %add3A_72, %exp3A : vector<2048x1xf32>
    %div3A = arith.constant 1.000000e+00 : f32
    %div3A_74 = vector.broadcast %div3A : f32 to vector<2048x1xf32>
    %div3A_75 = arith.divf %div3A_74, %add3A_73 : vector<2048x1xf32>
    %swap3A = arith.constant 0 : index
    %swap3A_76 = arith.constant 0 : index
    %swap3A_77 = vector.load %arg15[%swap3A, %swap3A_76] : memref<2048x1xf32, #tpu.memory_space<vmem>>, vector<2048x1xf32>
    tpu.vector_store %arg15[%swap3A, %swap3A_76], %div3A_75 {strides = array<i32>} : memref<2048x1xf32, #tpu.memory_space<vmem>>, vector<2048x1xf32>,
    return
  }
  func.func @transform_0(%arg0: i32) -> (i32, i32) {
    %c0_i32 = arith.constant 0 : i32
    %c0_i32_0 = arith.constant 0 : i32
    return %arg0, %c0_i32 : i32, i32
  }
  func.func @transform_1(%arg0: i32) -> (i32, i32) {
    %c0_i32 = arith.constant 0 : i32
    %c0_i32_0 = arith.constant 0 : i32
    return %arg0, %c0_i32 : i32, i32
  }
  func.func @transform_2(%arg0: i32) -> (i32, i32) {
    %c0_i32 = arith.constant 0 : i32
    %c0_i32_0 = arith.constant 0 : i32
    return %arg0, %c0_i32 : i32, i32
  }
  func.func @transform_3(%arg0: i32) -> (i32, i32) {
    %c0_i32 = arith.constant 0 : i32
    %c0_i32_0 = arith.constant 0 : i32
    return %arg0, %c0_i32 : i32, i32
  }
  func.func @transform_4(%arg0: i32) -> (i32, i32) {
    %c0_i32 = arith.constant 0 : i32
    %c0_i32_0 = arith.constant 0 : i32
    %c0_i32_1 = arith.constant 0 : i32
    return %c0_i32, %c0_i32_0 : i32, i32
  }
  func.func @transform_5(%arg0: i32) -> (i32, i32) {
    %c0_i32 = arith.constant 0 : i32
    %c0_i32_0 = arith.constant 0 : i32
    %c0_i32_1 = arith.constant 0 : i32
    return %c0_i32, %c0_i32_0 : i32, i32
  }
  func.func @transform_6(%arg0: i32) -> (i32, i32) {
    %c0_i32 = arith.constant 0 : i32
    %c0_i32_0 = arith.constant 0 : i32
    %c0_i32_1 = arith.constant 0 : i32
    return %c0_i32, %c0_i32_0 : i32, i32
  }
  func.func @transform_7(%arg0: i32) -> (i32, i32) {
    %c0_i32 = arith.constant 0 : i32
    %c0_i32_0 = arith.constant 0 : i32
    %c0_i32_1 = arith.constant 0 : i32
    return %c0_i32, %c0_i32_0 : i32, i32
  }
  func.func @transform_8(%arg0: i32) -> (i32, i32) {
    %c0_i32 = arith.constant 0 : i32
    %c0_i32_0 = arith.constant 0 : i32
    %c0_i32_1 = arith.constant 0 : i32
    return %c0_i32, %c0_i32_0 : i32, i32
  }
  func.func @transform_9(%arg0: i32) -> (i32, i32) {
    %c0_i32 = arith.constant 0 : i32
    %c0_i32_0 = arith.constant 0 : i32
    %c0_i32_1 = arith.constant 0 : i32
    return %c0_i32, %c0_i32_0 : i32, i32
  }
  func.func @transform_10(%arg0: i32) -> (i32, i32) {
    %c0_i32 = arith.constant 0 : i32
    %c0_i32_0 = arith.constant 0 : i32
    %c0_i32_1 = arith.constant 0 : i32
    return %c0_i32, %c0_i32_0 : i32, i32
  }
  func.func @transform_11(%arg0: i32) -> (i32, i32) {
    %c0_i32 = arith.constant 0 : i32
    %c0_i32_0 = arith.constant 0 : i32
    %c0_i32_1 = arith.constant 0 : i32
    return %c0_i32, %c0_i32_0 : i32, i32
  }
  func.func @transform_12(%arg0: i32) -> (i32, i32) {
    %c0_i32 = arith.constant 0 : i32
    %c0_i32_0 = arith.constant 0 : i32
    %c0_i32_1 = arith.constant 0 : i32
    return %c0_i32, %c0_i32_0 : i32, i32
  }
  func.func @transform_13(%arg0: i32) -> (i32, i32) {
    %c0_i32 = arith.constant 0 : i32
    %c0_i32_0 = arith.constant 0 : i32
    %c0_i32_1 = arith.constant 0 : i32
    return %c0_i32, %c0_i32_0 : i32, i32
  }
  func.func @transform_14(%arg0: i32) -> (i32, i32) {
    %c0_i32 = arith.constant 0 : i32
    %c0_i32_0 = arith.constant 0 : i32
    return %arg0, %c0_i32 : i32, i32
  }
}

</mosaic_0001>

<sc_bundles>
// kernel: kernel.4.cloned.1.call-start
scs
__scs_entry_jumppad:
0x0: {  	(pc) =	sbr.rel $0x88, $3  }
0x1: {  	(tag) =	ssettag $0x0;
	lr =	simm.s32 $0x1  }
0x2: {  	[smem:$0x3F93] =	sst lr;
	_ =	strace $0xD0000000  }
0x3: {  	_ = 	snop  }
0x4: {  	_ = 	snop  }
0x5: {  	_ = 	snop  }
0x6: {  	_ = 	snop  }
0x7: {  	_ = 	snop  }
__scs_overlays_trampoline_lowered:
0x8: {  	[smem:$0x3FA2] =	sst s0  }
0x9: {  	[smem:$0x3FA3] =	sst s1  }
0xa: {  	[smem:$0x3FA4] =	sst s2  }
0xb: {  	[smem:$0x3FA5] =	sst s3  }
0xc: {  	[smem:$0x3FA6] =	sst s4  }
0xd: {  	[smem:$0x3FA7] =	sst s5  }
0xe: {  	[smem:$0x3FA8] =	sst s6  }
0xf: {  	[smem:$0x3FA9] =	sst s7  }
0x10: {  	[smem:$0x3FAA] =	sst s8  }
0x11: {  	[smem:$0x3FAB] =	sst s9;
	s0 =	simm.s32 @!p0 $0x0  }
0x12: {  	s1 =	sld [smem:$0x3F91];
	s0 =	simm.s32 @p0 $0x1  }
0x13: {  	[smem:$0x3FAC] =	sst s0;
	s0 =	simm.s32 @!p1 $0x0  }
0x14: {  	s2 =	sld [smem:$0x3F90];
	s0 =	simm.s32 @p1 $0x1  }
0x15: {  	[smem:$0x3FAD] =	sst s0;
	s0 =	simm.s32 @!p2 $0x0  }
0x16: {  	s3 =	sld [smem:$0x3FDB];
	s0 =	simm.s32 @p2 $0x1  }
0x17: {  	s4 =	simm.s32 $0x1BF5;
	[smem:$0x3FAF] =	sst s0  }
0x18: {  	s0 =	sld [smem:$0x3F92];
	_ =	swait.ge [sflag:s4], $0x0  }
0x19: {  	s7 =	sld [smem:$0x3F93]  }
0x1a: {  	s8 =	sadd.s32 $0xFFFFE003, lr  }
0x1b: {  	s9 =	sadd.s32 $0xFFFFFEF7, lr;
	s5 =	simm.s32 $0xFFFFFFFF;
	p2 =	slt.u32 s8, $0xFFFFF086  }
0x1c: {  	p1 =	slt.u32 s9, $0xF7A;
	s5 =	simm.s32 @!p2 $0x0  }
0x1d: {  	s5 =	simm.s32 @p1 $0x1;
	p0 =	seq.s32 s7, s2  }
0x1e: {  	s7 =	smul.u32 @!p0 $0xF7A, s2;
	p2 =	seq.s32 @!p0 s5, $0x0  }
0x1f: {  	s9 =	smul.u32 $0xF7A, s1;
	s8 =	simm.s32 @!p0 $0x1BF5;
	p2 =	por !p2, p0  }
0x20: {  	[sflag:s8] =	ssyncset.s32 @!p0 $0xFFFFF086;
	s6 =	sadd.s32 @!p0 s3, s7;
	s7 =	simm.s32 @!p0 $0x108  }
0x21: {  	s3 =	sadd.s32 s3, s9;
	s6 =	sadd.s32 @!p0 $0x88, s6;
	s7 =	simm.s32 @p2 $0x1082  }
0x22: {  	[simem:s7], [sflag:s8] =	dma.local @!p0 [hbm:s6], $0xF7A  }
0x23: {  	s9 =	sor.u32 $0xD0000000, s2;
	s6 =	simm.s32 $0x108;
	_ =	swait.ge @!p0 [sflag:s8], $0x0  }
0x24: {  	s3 =	sadd.s32 $0x88, s3;
	s6 =	simm.s32 @!p1 $0x1082;
	[sflag:s4] =	ssyncset.s32 $0xFFFFF086  }
0x25: {  	[simem:s6], [sflag:s4] =	dma.local [hbm:s3], $0xF7A  }
0x26: {  	[smem:$0x3F93] =	sst s1;
	(tag) =	ssettag s2;
	_ =	strace s9  }
0x27: {  	s1 =	sld [smem:$0x3FA3]  }
0x28: {  	s2 =	sld [smem:$0x3FA4]  }
0x29: {  	s4 =	sld [smem:$0x3FA6]  }
0x2a: {  	p0 =	seq.s32 s5, $0x0;
	s5 =	sld [smem:$0x3FA7]  }
0x2b: {  	s6 =	sld [smem:$0x3FA8]  }
0x2c: {  	s7 =	sld [smem:$0x3FA9]  }
0x2d: {  	s3 =	simm.s32 $0x108;
	s8 =	sld [smem:$0x3FAA]  }
0x2e: {  	s3 =	simm.s32 @!p0 $0x1082;
	s9 =	sld [smem:$0x3FAB]  }
0x2f: {  	lr =	sadd.s32 s0, s3;
	s0 =	sld [smem:$0x3FA2]  }
0x30: {  	s3 =	sld [smem:$0x3FA5]  }
0x31: {  	[smem:$0x3FAE] =	sst s10  }
0x32: {  	s10 =	sld [smem:$0x3FAC];
	_ =	sdelay $0x3  }
0x33: {  	p0 =	seq.s32 s10, $0x1;
	s10 =	sld [smem:$0x3FAE];
	_ =	sdelay $0x3  }
0x34: {  	[smem:$0x3FAE] =	sst s10  }
0x35: {  	s10 =	sld [smem:$0x3FAD];
	_ =	sdelay $0x3  }
0x36: {  	p1 =	seq.s32 s10, $0x1;
	s10 =	sld [smem:$0x3FAE];
	_ =	sdelay $0x3  }
0x37: {  	[smem:$0x3FAE] =	sst s10  }
0x38: {  	s10 =	sld [smem:$0x3FAF]  }
0x39: {  	_ = 	snop;
	(pc) =	sbr.ind lr, $3  }
0x3a: {  	_ = 	snop  }
0x3b: {  	_ = 	snop  }
0x3c: {  	p2 =	seq.s32 s10, $0x1;
	s10 =	sld [smem:$0x3FAE]  }
0x3d: {  	_ =	shalt  }
0x3e: {  	_ =	shalt  }
0x3f: {  	_ =	shalt  }
0x40: {  	_ =	shalt  }
0x41: {  	_ =	shalt  }
0x42: {  	_ =	shalt  }
0x43: {  	_ =	shalt  }
0x44: {  	_ =	shalt  }
0x45: {  	_ =	shalt  }
0x46: {  	_ =	shalt  }
0x47: {  	_ =	shalt  }
0x48: {  	_ =	shalt  }
0x49: {  	_ =	shalt  }
0x4a: {  	_ =	shalt  }
0x4b: {  	_ =	shalt  }
0x4c: {  	_ =	shalt  }
0x4d: {  	_ =	shalt  }
0x4e: {  	_ =	shalt  }
0x4f: {  	_ =	shalt  }
0x50: {  	_ =	shalt  }
0x51: {  	_ =	shalt  }
0x52: {  	_ =	shalt  }
0x53: {  	_ =	shalt  }
0x54: {  	_ =	shalt  }
0x55: {  	_ =	shalt  }
0x56: {  	_ =	shalt  }
0x57: {  	_ =	shalt  }
0x58: {  	_ =	shalt  }
0x59: {  	_ =	shalt  }
0x5a: {  	_ =	shalt  }
0x5b: {  	_ =	shalt  }
0x5c: {  	_ =	shalt  }
0x5d: {  	_ =	shalt  }
0x5e: {  	_ =	shalt  }
0x5f: {  	_ =	shalt  }
0x60: {  	_ =	shalt  }
0x61: {  	_ =	shalt  }
0x62: {  	_ =	shalt  }
0x63: {  	_ =	shalt  }
0x64: {  	_ =	shalt  }
0x65: {  	_ =	shalt  }
0x66: {  	_ =	shalt  }
0x67: {  	_ =	shalt  }
0x68: {  	_ =	shalt  }
0x69: {  	_ =	shalt  }
0x6a: {  	_ =	shalt  }
0x6b: {  	_ =	shalt  }
0x6c: {  	_ =	shalt  }
0x6d: {  	_ =	shalt  }
0x6e: {  	_ =	shalt  }
0x6f: {  	_ =	shalt  }
0x70: {  	_ =	shalt  }
0x71: {  	_ =	shalt  }
0x72: {  	_ =	shalt  }
0x73: {  	_ =	shalt  }
0x74: {  	_ =	shalt  }
0x75: {  	_ =	shalt  }
0x76: {  	_ =	shalt  }
0x77: {  	_ =	shalt  }
0x78: {  	_ =	shalt  }
0x79: {  	_ =	shalt  }
0x7a: {  	_ =	shalt  }
0x7b: {  	_ =	shalt  }
0x7c: {  	_ =	shalt  }
0x7d: {  	_ =	shalt  }
0x7e: {  	_ =	shalt  }
0x7f: {  	_ =	shalt  }
0x80: {  	_ =	shalt  }
0x81: {  	_ =	shalt  }
0x82: {  	_ =	shalt  }
0x83: {  	_ =	shalt  }
0x84: {  	_ =	shalt  }
0x85: {  	_ =	shalt  }
0x86: {  	_ =	shalt  }
0x87: {  	_ =	shalt  }
.Lfunc_end0:
.L_simem_size_0:
called_computation_lowered:
.L_overlay_start_0:
0x88: {  	s2 =	sld [smem:$0x3FD9]  }
0x89: {  	s3 =	sld [smem:$0x3FFE];
	_ =	sdelay $0x1  }
0x8a: {  	s1 =	srdreg.scid  }
0x8b: {  	s0 =	sand.u32 $0x1, s1  }
0x8c: {  	s17 =	sshll.u32 s0, $0xA;
	s2 =	sadd.s32 s3, s2  }
0x8d: {  	s2 =	sadd.s32 s2, s17  }
0x8e: {  	[smem:$0x3FBA] =	sst s2  }
0x8f: {  	_ = 	snop  }
0x90: {  	s2 =	sld [smem:$0x3FC9]  }
0x91: {  	s18 =	sld [smem:$0x3FC8];
	(tm) =	ssettm $0x1  }
0x92: {  	s4 =	sld [smem:$0x3FFB];
	_ =	sdelay $0x3  }
0x93: {  	_ =	strace s4  }
0x94: {  	s4 =	sld [smem:$0x3FFC];
	_ =	sdelay $0x3  }
0x95: {  	_ =	strace s4  }
0x96: {  	s4 =	sld [smem:$0x3FFD];
	_ =	sdelay $0x3  }
0x97: {  	_ =	strace s4  }
0x98: {  	_ =	strace $0x8FFFFFFF  }
0x99: {  	s19 =	sld [smem:$0x3FDB];
	_ =	sdelay $0x1  }
0x9a: {  	s5 =	simm.s32 $_scs_section_size  }
0x9b: {  	s6 =	simm.s32 $_size__tile_overlayer_lowered;
	s7 =	simm.s32 $_tile_overlayer_lowered  }
0x9c: {  	s22 =	simm.s32 $0x1BFF;
	s21 =	sshll.u32 s7, $0x1;
	s4 =	sadd.s32 s5, s19  }
0x9d: {  	s8 =	simm.s32 $0x0;
	s20 =	sshll.u32 s6, $0x1;
	s6 =	sadd.s32 s21, s4  }
0x9e: {  	[timem:s8], [sflag:s22] =	dma.local [hbm:s6], s20  }
0x9f: {  	_ =	swait.ge [sflag:s22], s20  }
0xa0: {  	s5 =	ssub.s32 $0x0, s20;
	[sflag:s22] =	ssyncset.done $0x0  }
0xa1: {  	[sflag:s22] =	ssyncadd.s32 s5;
	_ =	sdelay $0x1  }
0xa2: {  	s23 =	simm.s32 $0x1B8B  }
0xa3: {  	_ =	swait.ge [sflag:s23], $0x1  }
0xa4: {  	[sflag:s23] =	ssyncset.done $0x0  }
0xa5: {  	s25 =	simm.s32 $0x1B8E;
	s24 =	sld [smem:$0x3FFE];
	[sflag:s23] =	ssyncadd.s32 $0xFFFFFFFF  }
0xa6: {  	s26 =	simm.s32 $execute0_lowered;
	[smem:$0x3FD2] =	sst s25  }
0xa7: {  	s6 =	sshll.u32 s26, $0x1;
	_ =	strace $0x80000046;
	[dreg:$0x1] =	wrdreg $0xFFFFFFFF  }
0xa8: {  	s28 =	simm.s32 $_size_execute0_lowered;
	s4 =	sadd.s32 s4, s6;
	[dreg:$0x0] =	wrdreg $0x0  }
0xa9: {  	s6 =	sshll.u32 s28, $0x1;
	[dreg:$0x2] =	wrdreg s4  }
0xaa: {  	[dreg:$0x3] =	wrdreg s6  }
0xab: {  	[dreg:$0x4] =	wrdreg $0xC0  }
0xac: {  	_ =	task [dreg:s8], $0x5FFFF  }
0xad: {  	[dreg:$0x1] =	wrdreg $0xFFFFFFFF  }
0xae: {  	[dreg:$0x0] =	wrdreg $0x60  }
0xaf: {  	[dreg:$0x2] =	wrdreg s2  }
0xb0: {  	[dreg:$0x3] =	wrdreg s18  }
0xb1: {  	[dreg:$0x4] =	wrdreg s24  }
0xb2: {  	[dreg:$0x5] =	wrdreg $0x9  }
0xb3: {  	_ =	task.clear_ibuf [dreg:s8], $0x6FFFF;
	_ =	strace $0x90000046  }
0xb4: {  	s29 =	simm.s32 $0x9;
	_ =	strace $0x80000048  }
0xb5: {  	_ =	swait.ge [sflag:s29], $0x1  }
0xb6: {  	[sflag:s29] =	ssyncadd.s32 $0xFFFFFFFF  }
0xb7: {  	_ =	strace $0x90000048  }
0xb8: {  	_ =	sfence  }
0xb9: {  	s30 =	sld [smem:$0x0];
	_ =	sdelay $0x2  }
0xba: {  	s31 =	sshll.u32 s1, $0xD;
	s1 =	sshrl.u32 s1, $0x2  }
0xbb: {  	s3 =	sand.u32 $0x4000, s31;
	s1 =	sadd.s32 s1, s30  }
0xbc: {  	s0 =	sor.u32 s3, s0;
	s1 =	sshll.u32 s1, $0x11  }
0xbd: {  	s0 =	sor.u32 s1, s0  }
0xbe: {  	s0 =	sadd.s32 $0x8F2B, s0  }
0xbf: {  	[sflag:s0] =	ssyncadd.remote.s32 $0x1  }
0xc0: {  	_ =	sfence.sel $0xFFFF  }
0xc1: {  	[dreg:$0x0] =	wrdreg $0xFFFFFFFF;
	(pc) =	sbr.abs _section_cstart, $3  }
0xc2: {  	[dreg:$0x1] =	wrdreg $0xFFFFFFFF  }
0xc3: {  	_ =	task.clear_ibuf [dreg:s8], $0x2FFFF;
	_ =	strace $0x9FFFFFFF  }
0xc4: {  	(tm) =	ssettm $0x7FFFFFFF  }
0xc5: {  	_ =	shalt  }
tec
execute0_lowered:
.L_overlay_start_1:
0x0: {  	(tag) =	ssettag $0x1  }
0x1: {  	s0 =	rddreg [dreg:$0x0]  }
0x2: {  	s1 =	rddreg [dreg:$0x1]  }
0x3: {  	s5 =	rddreg [dreg:$0x2]  }
0x4: {  	s3 =	srdreg.scid;
	s4 =	stileid.u32  }
0x5: {  	s2 =	simm.s32 $0x0;
	s31 =	simm.s32 $0x200;
	p0 =	por $0x0, $0x0  }
0x6: {  	s30 =	simm.s32 $0x280;
	s28 =	simm.s32 $0x100;
	s29 =	simm.s32 $0x300  }
0x7: {  	s6 =	sand.u32 $0x1, s3;
	s13 =	sshll.u32 s4, $0x1;
	[smem:$0x7FF] =	sst s2  }
0x8: {  	s3 =	sadd.s32 $0x3D6000, s5;
	s4 =	sadd.s32 $0x312A00, s5;
	s9 =	sadd.s32 $0x65400, s5  }
0x9: {  	s10 =	sadd.s32 $0x45400, s5;
	s12 =	sadd.s32 $0x25400, s5;
	s7 =	sor.u32 s6, s13  }
0xa: {  	_ =	strace $0x80000047;
	s13 =	sadd.s32 $0x5400, s5;
	s22 =	ssub.s32 $0x2, s6  }
0xb: {  	s8 =	sshll.u32 s7, $0x6;
	s15 =	sshll.u32 s7, $0xC;
	s7 =	sadd.s32 $0x24F400, s5  }
0xc: {  	s6 =	sshrl.u32 s22, $0x1;
	s0 =	sadd.s32 s0, s8;
	s14 =	sadd.s32 s1, s8  }
0xd: {  	s16 =	sadd.s32 s9, s15;
	s17 =	sadd.s32 s10, s15;
	[dreg:$0x4] =	wrdreg s0  }
0xe: {  	s18 =	sadd.s32 s12, s15;
	s19 =	sadd.s32 s13, s15;
	[dreg:$0x5] =	wrdreg s14  }
0xf: {  	s11 =	sor.u32 $0x400, s15;
	s8 =	sadd.s32 $0x18BE00, s5;
	[dreg:$0x6] =	wrdreg s16  }
0x10: {  	s5 =	ssub.s32 s22, s6;
	s25 =	sor.u32 $0x800, s15;
	[dreg:$0x7] =	wrdreg s17  }
0x11: {  	s1 =	sor.u32 $0xC00, s15;
	s15 =	simm.s32 $0x3;
	[dreg:$0x8] =	wrdreg s18  }
0x12: {  	[dreg:$0x9] =	wrdreg s19;
	s20 =	sadd.s32 s9, s11;
	s21 =	sadd.s32 s10, s11  }
0x13: {  	s23 =	sadd.s32 s12, s11;
	s24 =	sadd.s32 s13, s11;
	s22 =	sadd.s32 s12, s25  }
0x14: {  	s19 =	sadd.s32 s13, s25;
	s14 =	sadd.s32 s9, s1;
	s11 =	sadd.s32 s10, s1  }
0x15: {  	s6 =	sadd.s32 s13, s1;
	s26 =	smax.u32 s5, $0x1;
	s5 =	simm.s32 $0x5  }
0x16: {  	s18 =	simm.s32 $0x400;
	s16 =	simm.s32 $0x2400;
	[dreg:$0xa] =	wrdreg s20  }
0x17: {  	s17 =	simm.s32 $0x2;
	[dreg:$0xb] =	wrdreg s21;
	p1 =	sne.s32 s26, $0x1  }
.Ltmp0:
0x18: {  	s13 =	simm.s32 $0x4;
	[dreg:$0xc] =	wrdreg s23;
	(pc) =	sbr.rel @!p1 .LBB2_3-.Ltmp0, $4  }
0x19: {  	[dreg:$0xd] =	wrdreg s24;
	s24 =	sadd.s32 s9, s25;
	s23 =	sadd.s32 s10, s25  }
0x1a: {  	s9 =	sadd.s32 s12, s1;
	s20 =	simm.s32 $0x80;
	s12 =	simm.s32 $0x4400  }
0x1b: {  	s10 =	simm.s32 $0x6400;
	s21 =	simm.s32 $0x1;
	s0 =	sadd.s32 $0xFFFFFFFF, s26  }
0x1c: {  	s25 =	simm.s32 $0x180;
	s26 =	simm.s32 $0x380;
	s1 =	rddreg [dreg:$0x4]  }
0x1d: {  	[tilespmem:s2], [sflag:$0x5] =	stream.linear.gather [hbm4b:s1+s2], $0x200, $0x38;
	[tilespmem:$0x8400] =	vst v63  }
0x1e: {  	_ =	swait.ge [sflag:s5], $0x200  }
0x1f: {  	[sflag:s5] =	ssyncset.done $0x0  }
0x20: {  	s1 =	rddreg [dreg:$0x5];
	[sflag:s5] =	ssyncadd.s32 $0xFFFFFE00  }
0x21: {  	[tilespmem:s31], [sflag:$0x5] =	stream.linear.gather [hbm4b:s1+s2], $0x200, $0x38;
	[tilespmem:$0x8400] =	vst v63  }
0x22: {  	_ =	swait.ge [sflag:s5], $0x200  }
0x23: {  	[sflag:s5] =	ssyncset.done $0x0  }
0x24: {  	[sflag:s5] =	ssyncadd.s32 $0xFFFFFE00  }
0x25: {  	[tilespmem:s18], [sflag:$0x1] =	stream.indirect.gather [hbm4b:s3+s20], $0x40, s2, s20, $0xb8;
	[tilespmem:$0x8400] =	vst v63  }
0x26: {  	_ = 	snop  }
0x27: {  	[tilespmem:s16], [sflag:$0x2] =	stream.indirect.gather [hbm4b:s4+s20], $0x40, s31, s20, $0xb8;
	[tilespmem:$0x8400] =	vst v63  }
0x28: {  	_ = 	snop  }
0x29: {  	[tilespmem:s12], [sflag:$0x3] =	stream.indirect.gather [hbm4b:s7+s20], $0x40, s2, s20, $0xb8;
	[tilespmem:$0x8400] =	vst v63  }
0x2a: {  	_ = 	snop  }
0x2b: {  	[tilespmem:s10], [sflag:$0x4] =	stream.indirect.gather [hbm4b:s8+s20], $0x40, s31, s20, $0xb8;
	[tilespmem:$0x8400] =	vst v63  }
0x2c: {  	_ =	swait.ge [sflag:s21], $0x2000  }
0x2d: {  	[sflag:s21] =	ssyncset.done $0x0  }
0x2e: {  	s1 =	rddreg [dreg:$0x6];
	[sflag:s21] =	ssyncadd.s32 $0xFFFFE000  }
0x2f: {  	[hbm4b:s1+s2] =	stream.linear.scatter [tilespmem:s18], [sflag:$0x5], $0x2000, $0x38;
	[tilespmem:$0x8400] =	vst v63  }
0x30: {  	_ =	swait.ge [sflag:s5], $0x2000  }
0x31: {  	[sflag:s5] =	ssyncset.done $0x0  }
0x32: {  	[sflag:s5] =	ssyncadd.s32 $0xFFFFE000  }
0x33: {  	_ =	swait.ge [sflag:s17], $0x2000  }
0x34: {  	[sflag:s17] =	ssyncset.done $0x0  }
0x35: {  	s1 =	rddreg [dreg:$0x7];
	[sflag:s17] =	ssyncadd.s32 $0xFFFFE000  }
0x36: {  	[hbm4b:s1+s2] =	stream.linear.scatter [tilespmem:s16], [sflag:$0x5], $0x2000, $0x38;
	[tilespmem:$0x8400] =	vst v63  }
0x37: {  	_ =	swait.ge [sflag:s5], $0x2000  }
0x38: {  	[sflag:s5] =	ssyncset.done $0x0  }
0x39: {  	[sflag:s5] =	ssyncadd.s32 $0xFFFFE000  }
0x3a: {  	_ =	swait.ge [sflag:s15], $0x2000  }
0x3b: {  	[sflag:s15] =	ssyncset.done $0x0  }
0x3c: {  	s1 =	rddreg [dreg:$0x8];
	[sflag:s15] =	ssyncadd.s32 $0xFFFFE000  }
0x3d: {  	[hbm4b:s1+s2] =	stream.linear.scatter [tilespmem:s12], [sflag:$0x5], $0x2000, $0x38;
	[tilespmem:$0x8400] =	vst v63  }
0x3e: {  	_ =	swait.ge [sflag:s5], $0x2000  }
0x3f: {  	[sflag:s5] =	ssyncset.done $0x0  }
0x40: {  	[sflag:s5] =	ssyncadd.s32 $0xFFFFE000  }
0x41: {  	_ =	swait.ge [sflag:s13], $0x2000  }
0x42: {  	[sflag:s13] =	ssyncset.done $0x0  }
0x43: {  	s1 =	rddreg [dreg:$0x9];
	[sflag:s13] =	ssyncadd.s32 $0xFFFFE000  }
0x44: {  	[hbm4b:s1+s2] =	stream.linear.scatter [tilespmem:s10], [sflag:$0x5], $0x2000, $0x38;
	[tilespmem:$0x8400] =	vst v63  }
0x45: {  	_ =	swait.ge [sflag:s5], $0x2000  }
0x46: {  	[sflag:s5] =	ssyncset.done $0x0  }
0x47: {  	[sflag:s5] =	ssyncadd.s32 $0xFFFFE000  }
0x48: {  	[tilespmem:s18], [sflag:$0x1] =	stream.indirect.gather [hbm4b:s3+s20], $0x40, s20, s20, $0xb8;
	[tilespmem:$0x8400] =	vst v63  }
0x49: {  	_ = 	snop  }
0x4a: {  	[tilespmem:s16], [sflag:$0x2] =	stream.indirect.gather [hbm4b:s4+s20], $0x40, s30, s20, $0xb8;
	[tilespmem:$0x8400] =	vst v63  }
0x4b: {  	_ = 	snop  }
0x4c: {  	[tilespmem:s12], [sflag:$0x3] =	stream.indirect.gather [hbm4b:s7+s20], $0x40, s20, s20, $0xb8;
	[tilespmem:$0x8400] =	vst v63  }
0x4d: {  	_ = 	snop  }
0x4e: {  	[tilespmem:s10], [sflag:$0x4] =	stream.indirect.gather [hbm4b:s8+s20], $0x40, s30, s20, $0xb8;
	[tilespmem:$0x8400] =	vst v63  }
0x4f: {  	_ =	swait.ge [sflag:s21], $0x2000  }
0x50: {  	[sflag:s21] =	ssyncset.done $0x0  }
0x51: {  	s1 =	rddreg [dreg:$0xa];
	[sflag:s21] =	ssyncadd.s32 $0xFFFFE000  }
0x52: {  	[hbm4b:s1+s2] =	stream.linear.scatter [tilespmem:s18], [sflag:$0x5], $0x2000, $0x38;
	[tilespmem:$0x8400] =	vst v63  }
0x53: {  	_ =	swait.ge [sflag:s5], $0x2000  }
0x54: {  	[sflag:s5] =	ssyncset.done $0x0  }
0x55: {  	[sflag:s5] =	ssyncadd.s32 $0xFFFFE000  }
0x56: {  	_ =	swait.ge [sflag:s17], $0x2000  }
0x57: {  	[sflag:s17] =	ssyncset.done $0x0  }
0x58: {  	s1 =	rddreg [dreg:$0xb];
	[sflag:s17] =	ssyncadd.s32 $0xFFFFE000  }
0x59: {  	[hbm4b:s1+s2] =	stream.linear.scatter [tilespmem:s16], [sflag:$0x5], $0x2000, $0x38;
	[tilespmem:$0x8400] =	vst v63  }
0x5a: {  	_ =	swait.ge [sflag:s5], $0x2000  }
0x5b: {  	[sflag:s5] =	ssyncset.done $0x0  }
0x5c: {  	[sflag:s5] =	ssyncadd.s32 $0xFFFFE000  }
0x5d: {  	_ =	swait.ge [sflag:s15], $0x2000  }
0x5e: {  	[sflag:s15] =	ssyncset.done $0x0  }
0x5f: {  	s1 =	rddreg [dreg:$0xc];
	[sflag:s15] =	ssyncadd.s32 $0xFFFFE000  }
0x60: {  	[hbm4b:s1+s2] =	stream.linear.scatter [tilespmem:s12], [sflag:$0x5], $0x2000, $0x38;
	[tilespmem:$0x8400] =	vst v63  }
0x61: {  	_ =	swait.ge [sflag:s5], $0x2000  }
0x62: {  	[sflag:s5] =	ssyncset.done $0x0  }
0x63: {  	[sflag:s5] =	ssyncadd.s32 $0xFFFFE000  }
0x64: {  	_ =	swait.ge [sflag:s13], $0x2000  }
0x65: {  	[sflag:s13] =	ssyncset.done $0x0  }
0x66: {  	s1 =	rddreg [dreg:$0xd];
	[sflag:s13] =	ssyncadd.s32 $0xFFFFE000  }
0x67: {  	[hbm4b:s1+s2] =	stream.linear.scatter [tilespmem:s10], [sflag:$0x5], $0x2000, $0x38;
	[tilespmem:$0x8400] =	vst v63  }
0x68: {  	_ =	swait.ge [sflag:s5], $0x2000  }
0x69: {  	[sflag:s5] =	ssyncset.done $0x0  }
0x6a: {  	[sflag:s5] =	ssyncadd.s32 $0xFFFFE000  }
0x6b: {  	[tilespmem:s18], [sflag:$0x1] =	stream.indirect.gather [hbm4b:s3+s20], $0x40, s28, s20, $0xb8;
	[tilespmem:$0x8400] =	vst v63  }
0x6c: {  	_ = 	snop  }
0x6d: {  	[tilespmem:s16], [sflag:$0x2] =	stream.indirect.gather [hbm4b:s4+s20], $0x40, s29, s20, $0xb8;
	[tilespmem:$0x8400] =	vst v63  }
0x6e: {  	_ = 	snop  }
0x6f: {  	[tilespmem:s12], [sflag:$0x3] =	stream.indirect.gather [hbm4b:s7+s20], $0x40, s28, s20, $0xb8;
	[tilespmem:$0x8400] =	vst v63  }
0x70: {  	_ = 	snop  }
0x71: {  	[tilespmem:s10], [sflag:$0x4] =	stream.indirect.gather [hbm4b:s8+s20], $0x40, s29, s20, $0xb8;
	[tilespmem:$0x8400] =	vst v63  }
0x72: {  	_ =	swait.ge [sflag:s21], $0x2000  }
0x73: {  	[sflag:s21] =	ssyncset.done $0x0  }
0x74: {  	[sflag:s21] =	ssyncadd.s32 $0xFFFFE000  }
0x75: {  	[hbm4b:s24+s2] =	stream.linear.scatter [tilespmem:s18], [sflag:$0x5], $0x2000, $0x38;
	[tilespmem:$0x8400] =	vst v63  }
0x76: {  	_ =	swait.ge [sflag:s5], $0x2000  }
0x77: {  	[sflag:s5] =	ssyncset.done $0x0  }
0x78: {  	[sflag:s5] =	ssyncadd.s32 $0xFFFFE000  }
0x79: {  	_ =	swait.ge [sflag:s17], $0x2000  }
0x7a: {  	[sflag:s17] =	ssyncset.done $0x0  }
0x7b: {  	[sflag:s17] =	ssyncadd.s32 $0xFFFFE000  }
0x7c: {  	[hbm4b:s23+s2] =	stream.linear.scatter [tilespmem:s16], [sflag:$0x5], $0x2000, $0x38;
	[tilespmem:$0x8400] =	vst v63  }
0x7d: {  	_ =	swait.ge [sflag:s5], $0x2000  }
0x7e: {  	[sflag:s5] =	ssyncset.done $0x0  }
0x7f: {  	[sflag:s5] =	ssyncadd.s32 $0xFFFFE000  }
0x80: {  	_ =	swait.ge [sflag:s15], $0x2000  }
0x81: {  	[sflag:s15] =	ssyncset.done $0x0  }
0x82: {  	[sflag:s15] =	ssyncadd.s32 $0xFFFFE000  }
0x83: {  	[hbm4b:s22+s2] =	stream.linear.scatter [tilespmem:s12], [sflag:$0x5], $0x2000, $0x38;
	[tilespmem:$0x8400] =	vst v63  }
0x84: {  	_ =	swait.ge [sflag:s5], $0x2000  }
0x85: {  	[sflag:s5] =	ssyncset.done $0x0  }
0x86: {  	[sflag:s5] =	ssyncadd.s32 $0xFFFFE000  }
0x87: {  	_ =	swait.ge [sflag:s13], $0x2000  }
0x88: {  	[sflag:s13] =	ssyncset.done $0x0  }
0x89: {  	[sflag:s13] =	ssyncadd.s32 $0xFFFFE000  }
0x8a: {  	[hbm4b:s19+s2] =	stream.linear.scatter [tilespmem:s10], [sflag:$0x5], $0x2000, $0x38;
	[tilespmem:$0x8400] =	vst v63  }
0x8b: {  	_ =	swait.ge [sflag:s5], $0x2000  }
0x8c: {  	[sflag:s5] =	ssyncset.done $0x0  }
0x8d: {  	[sflag:s5] =	ssyncadd.s32 $0xFFFFE000  }
0x8e: {  	[tilespmem:s18], [sflag:$0x1] =	stream.indirect.gather [hbm4b:s3+s20], $0x40, s25, s20, $0xb8;
	[tilespmem:$0x8400] =	vst v63  }
0x8f: {  	_ = 	snop  }
0x90: {  	[tilespmem:s16], [sflag:$0x2] =	stream.indirect.gather [hbm4b:s4+s20], $0x40, s26, s20, $0xb8;
	[tilespmem:$0x8400] =	vst v63  }
0x91: {  	_ = 	snop  }
0x92: {  	[tilespmem:s12], [sflag:$0x3] =	stream.indirect.gather [hbm4b:s7+s20], $0x40, s25, s20, $0xb8;
	[tilespmem:$0x8400] =	vst v63  }
0x93: {  	_ = 	snop  }
0x94: {  	[tilespmem:s10], [sflag:$0x4] =	stream.indirect.gather [hbm4b:s8+s20], $0x40, s26, s20, $0xb8;
	[tilespmem:$0x8400] =	vst v63  }
0x95: {  	_ =	swait.ge [sflag:s21], $0x2000  }
0x96: {  	[sflag:s21] =	ssyncset.done $0x0  }
0x97: {  	[sflag:s21] =	ssyncadd.s32 $0xFFFFE000  }
0x98: {  	[hbm4b:s14+s2] =	stream.linear.scatter [tilespmem:s18], [sflag:$0x5], $0x2000, $0x38;
	[tilespmem:$0x8400] =	vst v63  }
0x99: {  	_ =	swait.ge [sflag:s5], $0x2000  }
0x9a: {  	[sflag:s5] =	ssyncset.done $0x0  }
0x9b: {  	[sflag:s5] =	ssyncadd.s32 $0xFFFFE000  }
0x9c: {  	_ =	swait.ge [sflag:s17], $0x2000  }
0x9d: {  	[sflag:s17] =	ssyncset.done $0x0  }
0x9e: {  	[sflag:s17] =	ssyncadd.s32 $0xFFFFE000  }
0x9f: {  	[hbm4b:s11+s2] =	stream.linear.scatter [tilespmem:s16], [sflag:$0x5], $0x2000, $0x38;
	[tilespmem:$0x8400] =	vst v63  }
0xa0: {  	_ =	swait.ge [sflag:s5], $0x2000  }
0xa1: {  	[sflag:s5] =	ssyncset.done $0x0  }
0xa2: {  	[sflag:s5] =	ssyncadd.s32 $0xFFFFE000  }
0xa3: {  	_ =	swait.ge [sflag:s15], $0x2000  }
0xa4: {  	[sflag:s15] =	ssyncset.done $0x0  }
0xa5: {  	[sflag:s15] =	ssyncadd.s32 $0xFFFFE000  }
0xa6: {  	[hbm4b:s9+s2] =	stream.linear.scatter [tilespmem:s12], [sflag:$0x5], $0x2000, $0x38;
	[tilespmem:$0x8400] =	vst v63  }
0xa7: {  	_ =	swait.ge [sflag:s5], $0x2000  }
0xa8: {  	[sflag:s5] =	ssyncset.done $0x0  }
0xa9: {  	[sflag:s5] =	ssyncadd.s32 $0xFFFFE000  }
0xaa: {  	p1 =	sne.s32 s0, $0x1;
	_ =	swait.ge [sflag:s13], $0x2000  }
.Ltmp1:
0xab: {  	[sflag:s13] =	ssyncset.done $0x0;
	(pc) =	sbr.rel @!p1 .LBB2_3-.Ltmp1, $4  }
0xac: {  	[sflag:s13] =	ssyncadd.s32 $0xFFFFE000  }
0xad: {  	[hbm4b:s6+s2] =	stream.linear.scatter [tilespmem:s10], [sflag:$0x5], $0x2000, $0x38;
	[tilespmem:$0x8400] =	vst v63  }
0xae: {  	s0 =	sadd.s32 $0xFFFFFFFF, s0;
	_ =	swait.ge [sflag:s5], $0x2000  }
0xaf: {  	p0 =	por $0x1, $0x1;
	s1 =	rddreg [dreg:$0x4];
	[sflag:s5] =	ssyncset.done $0x0  }
.LBB2_2:
0xb0: {  	[sflag:s5] =	ssyncadd.s32 $0xFFFFE000  }
0xb1: {  	[tilespmem:s2], [sflag:$0x5] =	stream.linear.gather [hbm4b:s1+s2], $0x200, $0x38;
	[tilespmem:$0x8400] =	vst v63  }
0xb2: {  	_ =	swait.ge [sflag:s5], $0x200  }
0xb3: {  	[sflag:s5] =	ssyncset.done $0x0  }
0xb4: {  	s1 =	rddreg [dreg:$0x5];
	[sflag:s5] =	ssyncadd.s32 $0xFFFFFE00  }
0xb5: {  	[tilespmem:s31], [sflag:$0x5] =	stream.linear.gather [hbm4b:s1+s2], $0x200, $0x38;
	[tilespmem:$0x8400] =	vst v63  }
0xb6: {  	_ =	swait.ge [sflag:s5], $0x200  }
0xb7: {  	[sflag:s5] =	ssyncset.done $0x0  }
0xb8: {  	[sflag:s5] =	ssyncadd.s32 $0xFFFFFE00  }
0xb9: {  	[tilespmem:s18], [sflag:$0x1] =	stream.indirect.gather [hbm4b:s3+s20], $0x40, s2, s20, $0xb8;
	[tilespmem:$0x8400] =	vst v63  }
0xba: {  	_ = 	snop  }
0xbb: {  	[tilespmem:s16], [sflag:$0x2] =	stream.indirect.gather [hbm4b:s4+s20], $0x40, s31, s20, $0xb8;
	[tilespmem:$0x8400] =	vst v63  }
0xbc: {  	_ = 	snop  }
0xbd: {  	[tilespmem:s12], [sflag:$0x3] =	stream.indirect.gather [hbm4b:s7+s20], $0x40, s2, s20, $0xb8;
	[tilespmem:$0x8400] =	vst v63  }
0xbe: {  	_ = 	snop  }
0xbf: {  	[tilespmem:s10], [sflag:$0x4] =	stream.indirect.gather [hbm4b:s8+s20], $0x40, s31, s20, $0xb8;
	[tilespmem:$0x8400] =	vst v63  }
0xc0: {  	_ =	swait.ge [sflag:s21], $0x2000  }
0xc1: {  	[sflag:s21] =	ssyncset.done $0x0  }
0xc2: {  	s1 =	rddreg [dreg:$0x6];
	[sflag:s21] =	ssyncadd.s32 $0xFFFFE000  }
0xc3: {  	[hbm4b:s1+s2] =	stream.linear.scatter [tilespmem:s18], [sflag:$0x5], $0x2000, $0x38;
	[tilespmem:$0x8400] =	vst v63  }
0xc4: {  	_ =	swait.ge [sflag:s5], $0x2000  }
0xc5: {  	[sflag:s5] =	ssyncset.done $0x0  }
0xc6: {  	[sflag:s5] =	ssyncadd.s32 $0xFFFFE000  }
0xc7: {  	_ =	swait.ge [sflag:s17], $0x2000  }
0xc8: {  	[sflag:s17] =	ssyncset.done $0x0  }
0xc9: {  	s1 =	rddreg [dreg:$0x7];
	[sflag:s17] =	ssyncadd.s32 $0xFFFFE000  }
0xca: {  	[hbm4b:s1+s2] =	stream.linear.scatter [tilespmem:s16], [sflag:$0x5], $0x2000, $0x38;
	[tilespmem:$0x8400] =	vst v63  }
0xcb: {  	_ =	swait.ge [sflag:s5], $0x2000  }
0xcc: {  	[sflag:s5] =	ssyncset.done $0x0  }
0xcd: {  	[sflag:s5] =	ssyncadd.s32 $0xFFFFE000  }
0xce: {  	_ =	swait.ge [sflag:s15], $0x2000  }
0xcf: {  	[sflag:s15] =	ssyncset.done $0x0  }
0xd0: {  	s1 =	rddreg [dreg:$0x8];
	[sflag:s15] =	ssyncadd.s32 $0xFFFFE000  }
0xd1: {  	[hbm4b:s1+s2] =	stream.linear.scatter [tilespmem:s12], [sflag:$0x5], $0x2000, $0x38;
	[tilespmem:$0x8400] =	vst v63  }
0xd2: {  	_ =	swait.ge [sflag:s5], $0x2000  }
0xd3: {  	[sflag:s5] =	ssyncset.done $0x0  }
0xd4: {  	[sflag:s5] =	ssyncadd.s32 $0xFFFFE000  }
0xd5: {  	_ =	swait.ge [sflag:s13], $0x2000  }
0xd6: {  	[sflag:s13] =	ssyncset.done $0x0  }
0xd7: {  	s1 =	rddreg [dreg:$0x9];
	[sflag:s13] =	ssyncadd.s32 $0xFFFFE000  }
0xd8: {  	[hbm4b:s1+s2] =	stream.linear.scatter [tilespmem:s10], [sflag:$0x5], $0x2000, $0x38;
	[tilespmem:$0x8400] =	vst v63  }
0xd9: {  	_ =	swait.ge [sflag:s5], $0x2000  }
0xda: {  	[sflag:s5] =	ssyncset.done $0x0  }
0xdb: {  	[sflag:s5] =	ssyncadd.s32 $0xFFFFE000  }
0xdc: {  	[tilespmem:s18], [sflag:$0x1] =	stream.indirect.gather [hbm4b:s3+s20], $0x40, s20, s20, $0xb8;
	[tilespmem:$0x8400] =	vst v63  }
0xdd: {  	_ = 	snop  }
0xde: {  	[tilespmem:s16], [sflag:$0x2] =	stream.indirect.gather [hbm4b:s4+s20], $0x40, s30, s20, $0xb8;
	[tilespmem:$0x8400] =	vst v63  }
0xdf: {  	_ = 	snop  }
0xe0: {  	[tilespmem:s12], [sflag:$0x3] =	stream.indirect.gather [hbm4b:s7+s20], $0x40, s20, s20, $0xb8;
	[tilespmem:$0x8400] =	vst v63  }
0xe1: {  	_ = 	snop  }
0xe2: {  	[tilespmem:s10], [sflag:$0x4] =	stream.indirect.gather [hbm4b:s8+s20], $0x40, s30, s20, $0xb8;
	[tilespmem:$0x8400] =	vst v63  }
0xe3: {  	_ =	swait.ge [sflag:s21], $0x2000  }
0xe4: {  	[sflag:s21] =	ssyncset.done $0x0  }
0xe5: {  	s1 =	rddreg [dreg:$0xa];
	[sflag:s21] =	ssyncadd.s32 $0xFFFFE000  }
0xe6: {  	[hbm4b:s1+s2] =	stream.linear.scatter [tilespmem:s18], [sflag:$0x5], $0x2000, $0x38;
	[tilespmem:$0x8400] =	vst v63  }
0xe7: {  	_ =	swait.ge [sflag:s5], $0x2000  }
0xe8: {  	[sflag:s5] =	ssyncset.done $0x0  }
0xe9: {  	[sflag:s5] =	ssyncadd.s32 $0xFFFFE000  }
0xea: {  	_ =	swait.ge [sflag:s17], $0x2000  }
0xeb: {  	[sflag:s17] =	ssyncset.done $0x0  }
0xec: {  	s1 =	rddreg [dreg:$0xb];
	[sflag:s17] =	ssyncadd.s32 $0xFFFFE000  }
0xed: {  	[hbm4b:s1+s2] =	stream.linear.scatter [tilespmem:s16], [sflag:$0x5], $0x2000, $0x38;
	[tilespmem:$0x8400] =	vst v63  }
0xee: {  	_ =	swait.ge [sflag:s5], $0x2000  }
0xef: {  	[sflag:s5] =	ssyncset.done $0x0  }
0xf0: {  	[sflag:s5] =	ssyncadd.s32 $0xFFFFE000  }
0xf1: {  	_ =	swait.ge [sflag:s15], $0x2000  }
0xf2: {  	[sflag:s15] =	ssyncset.done $0x0  }
0xf3: {  	s1 =	rddreg [dreg:$0xc];
	[sflag:s15] =	ssyncadd.s32 $0xFFFFE000  }
0xf4: {  	[hbm4b:s1+s2] =	stream.linear.scatter [tilespmem:s12], [sflag:$0x5], $0x2000, $0x38;
	[tilespmem:$0x8400] =	vst v63  }
0xf5: {  	_ =	swait.ge [sflag:s5], $0x2000  }
0xf6: {  	[sflag:s5] =	ssyncset.done $0x0  }
0xf7: {  	[sflag:s5] =	ssyncadd.s32 $0xFFFFE000  }
0xf8: {  	_ =	swait.ge [sflag:s13], $0x2000  }
0xf9: {  	[sflag:s13] =	ssyncset.done $0x0  }
0xfa: {  	s1 =	rddreg [dreg:$0xd];
	[sflag:s13] =	ssyncadd.s32 $0xFFFFE000  }
0xfb: {  	[hbm4b:s1+s2] =	stream.linear.scatter [tilespmem:s10], [sflag:$0x5], $0x2000, $0x38;
	[tilespmem:$0x8400] =	vst v63  }
0xfc: {  	_ =	swait.ge [sflag:s5], $0x2000  }
0xfd: {  	[sflag:s5] =	ssyncset.done $0x0  }
0xfe: {  	[sflag:s5] =	ssyncadd.s32 $0xFFFFE000  }
0xff: {  	[tilespmem:s18], [sflag:$0x1] =	stream.indirect.gather [hbm4b:s3+s20], $0x40, s28, s20, $0xb8;
	[tilespmem:$0x8400] =	vst v63  }
0x100: {  	_ = 	snop  }
0x101: {  	[tilespmem:s16], [sflag:$0x2] =	stream.indirect.gather [hbm4b:s4+s20], $0x40, s29, s20, $0xb8;
	[tilespmem:$0x8400] =	vst v63  }
0x102: {  	_ = 	snop  }
0x103: {  	[tilespmem:s12], [sflag:$0x3] =	stream.indirect.gather [hbm4b:s7+s20], $0x40, s28, s20, $0xb8;
	[tilespmem:$0x8400] =	vst v63  }
0x104: {  	_ = 	snop  }
0x105: {  	[tilespmem:s10], [sflag:$0x4] =	stream.indirect.gather [hbm4b:s8+s20], $0x40, s29, s20, $0xb8;
	[tilespmem:$0x8400] =	vst v63  }
0x106: {  	_ =	swait.ge [sflag:s21], $0x2000  }
0x107: {  	[sflag:s21] =	ssyncset.done $0x0  }
0x108: {  	[sflag:s21] =	ssyncadd.s32 $0xFFFFE000  }
0x109: {  	[hbm4b:s24+s2] =	stream.linear.scatter [tilespmem:s18], [sflag:$0x5], $0x2000, $0x38;
	[tilespmem:$0x8400] =	vst v63  }
0x10a: {  	_ =	swait.ge [sflag:s5], $0x2000  }
0x10b: {  	[sflag:s5] =	ssyncset.done $0x0  }
0x10c: {  	[sflag:s5] =	ssyncadd.s32 $0xFFFFE000  }
0x10d: {  	_ =	swait.ge [sflag:s17], $0x2000  }
0x10e: {  	[sflag:s17] =	ssyncset.done $0x0  }
0x10f: {  	[sflag:s17] =	ssyncadd.s32 $0xFFFFE000  }
0x110: {  	[hbm4b:s23+s2] =	stream.linear.scatter [tilespmem:s16], [sflag:$0x5], $0x2000, $0x38;
	[tilespmem:$0x8400] =	vst v63  }
0x111: {  	_ =	swait.ge [sflag:s5], $0x2000  }
0x112: {  	[sflag:s5] =	ssyncset.done $0x0  }
0x113: {  	[sflag:s5] =	ssyncadd.s32 $0xFFFFE000  }
0x114: {  	_ =	swait.ge [sflag:s15], $0x2000  }
0x115: {  	[sflag:s15] =	ssyncset.done $0x0  }
0x116: {  	[sflag:s15] =	ssyncadd.s32 $0xFFFFE000  }
0x117: {  	[hbm4b:s22+s2] =	stream.linear.scatter [tilespmem:s12], [sflag:$0x5], $0x2000, $0x38;
	[tilespmem:$0x8400] =	vst v63  }
0x118: {  	_ =	swait.ge [sflag:s5], $0x2000  }
0x119: {  	[sflag:s5] =	ssyncset.done $0x0  }
0x11a: {  	[sflag:s5] =	ssyncadd.s32 $0xFFFFE000  }
0x11b: {  	_ =	swait.ge [sflag:s13], $0x2000  }
0x11c: {  	[sflag:s13] =	ssyncset.done $0x0  }
0x11d: {  	[sflag:s13] =	ssyncadd.s32 $0xFFFFE000  }
0x11e: {  	[hbm4b:s19+s2] =	stream.linear.scatter [tilespmem:s10], [sflag:$0x5], $0x2000, $0x38;
	[tilespmem:$0x8400] =	vst v63  }
0x11f: {  	_ =	swait.ge [sflag:s5], $0x2000  }
0x120: {  	[sflag:s5] =	ssyncset.done $0x0  }
0x121: {  	[sflag:s5] =	ssyncadd.s32 $0xFFFFE000  }
0x122: {  	[tilespmem:s18], [sflag:$0x1] =	stream.indirect.gather [hbm4b:s3+s20], $0x40, s25, s20, $0xb8;
	[tilespmem:$0x8400] =	vst v63  }
0x123: {  	_ = 	snop  }
0x124: {  	[tilespmem:s16], [sflag:$0x2] =	stream.indirect.gather [hbm4b:s4+s20], $0x40, s26, s20, $0xb8;
	[tilespmem:$0x8400] =	vst v63  }
0x125: {  	_ = 	snop  }
0x126: {  	[tilespmem:s12], [sflag:$0x3] =	stream.indirect.gather [hbm4b:s7+s20], $0x40, s25, s20, $0xb8;
	[tilespmem:$0x8400] =	vst v63  }
0x127: {  	_ = 	snop  }
0x128: {  	[tilespmem:s10], [sflag:$0x4] =	stream.indirect.gather [hbm4b:s8+s20], $0x40, s26, s20, $0xb8;
	[tilespmem:$0x8400] =	vst v63  }
0x129: {  	_ =	swait.ge [sflag:s21], $0x2000  }
0x12a: {  	[sflag:s21] =	ssyncset.done $0x0  }
0x12b: {  	[sflag:s21] =	ssyncadd.s32 $0xFFFFE000  }
0x12c: {  	[hbm4b:s14+s2] =	stream.linear.scatter [tilespmem:s18], [sflag:$0x5], $0x2000, $0x38;
	[tilespmem:$0x8400] =	vst v63  }
0x12d: {  	_ =	swait.ge [sflag:s5], $0x2000  }
0x12e: {  	[sflag:s5] =	ssyncset.done $0x0  }
0x12f: {  	[sflag:s5] =	ssyncadd.s32 $0xFFFFE000  }
0x130: {  	_ =	swait.ge [sflag:s17], $0x2000  }
0x131: {  	[sflag:s17] =	ssyncset.done $0x0  }
0x132: {  	[sflag:s17] =	ssyncadd.s32 $0xFFFFE000  }
0x133: {  	[hbm4b:s11+s2] =	stream.linear.scatter [tilespmem:s16], [sflag:$0x5], $0x2000, $0x38;
	[tilespmem:$0x8400] =	vst v63  }
0x134: {  	_ =	swait.ge [sflag:s5], $0x2000  }
0x135: {  	[sflag:s5] =	ssyncset.done $0x0  }
0x136: {  	[sflag:s5] =	ssyncadd.s32 $0xFFFFE000  }
0x137: {  	_ =	swait.ge [sflag:s15], $0x2000  }
0x138: {  	[sflag:s15] =	ssyncset.done $0x0  }
0x139: {  	[sflag:s15] =	ssyncadd.s32 $0xFFFFE000  }
0x13a: {  	[hbm4b:s9+s2] =	stream.linear.scatter [tilespmem:s12], [sflag:$0x5], $0x2000, $0x38;
	[tilespmem:$0x8400] =	vst v63  }
0x13b: {  	_ =	swait.ge [sflag:s5], $0x2000  }
0x13c: {  	[sflag:s5] =	ssyncset.done $0x0  }
0x13d: {  	[sflag:s5] =	ssyncadd.s32 $0xFFFFE000  }
0x13e: {  	p1 =	sne.s32 s0, $0x1;
	_ =	swait.ge [sflag:s13], $0x2000  }
.Ltmp2:
0x13f: {  	[sflag:s13] =	ssyncset.done $0x0;
	(pc) =	sbr.rel @p1 .LBB2_2-.Ltmp2, $4  }
0x140: {  	[sflag:s13] =	ssyncadd.s32 $0xFFFFE000  }
0x141: {  	[hbm4b:s6+s2] =	stream.linear.scatter [tilespmem:s10], [sflag:$0x5], $0x2000, $0x38;
	[tilespmem:$0x8400] =	vst v63  }
0x142: {  	_ =	swait.ge [sflag:s5], $0x2000  }
0x143: {  	s0 =	sadd.s32 $0xFFFFFFFF, s0;
	s1 =	rddreg [dreg:$0x4];
	[sflag:s5] =	ssyncset.done $0x0  }
.LBB2_3:
0x144: {  	[sflag:s5] =	ssyncadd.s32 @p0 $0xFFFFE000  }
0x145: {  	[tilespmem:s2], [sflag:$0x5] =	stream.linear.gather [hbm4b:s1+s2], $0x200, $0x38;
	[tilespmem:$0x8400] =	vst v63  }
0x146: {  	_ =	swait.ge [sflag:s5], $0x200  }
0x147: {  	[sflag:s5] =	ssyncset.done $0x0  }
0x148: {  	s0 =	rddreg [dreg:$0x5];
	[sflag:s5] =	ssyncadd.s32 $0xFFFFFE00  }
0x149: {  	[tilespmem:s31], [sflag:$0x5] =	stream.linear.gather [hbm4b:s0+s2], $0x200, $0x38;
	[tilespmem:$0x8400] =	vst v63  }
0x14a: {  	_ =	swait.ge [sflag:s5], $0x200  }
0x14b: {  	[sflag:s5] =	ssyncset.done $0x0  }
0x14c: {  	[sflag:s5] =	ssyncadd.s32 $0xFFFFFE00  }
0x14d: {  	[tilespmem:s18], [sflag:$0x1] =	stream.indirect.gather [hbm4b:s3+s20], $0x40, s2, s20, $0xb8;
	[tilespmem:$0x8400] =	vst v63  }
0x14e: {  	_ = 	snop  }
0x14f: {  	[tilespmem:s16], [sflag:$0x2] =	stream.indirect.gather [hbm4b:s4+s20], $0x40, s31, s20, $0xb8;
	[tilespmem:$0x8400] =	vst v63  }
0x150: {  	_ = 	snop  }
0x151: {  	[tilespmem:s12], [sflag:$0x3] =	stream.indirect.gather [hbm4b:s7+s20], $0x40, s2, s20, $0xb8;
	[tilespmem:$0x8400] =	vst v63  }
0x152: {  	_ = 	snop  }
0x153: {  	[tilespmem:s10], [sflag:$0x4] =	stream.indirect.gather [hbm4b:s8+s20], $0x40, s31, s20, $0xb8;
	[tilespmem:$0x8400] =	vst v63  }
0x154: {  	_ =	swait.ge [sflag:s21], $0x2000  }
0x155: {  	[sflag:s21] =	ssyncset.done $0x0  }
0x156: {  	s31 =	rddreg [dreg:$0x6];
	[sflag:s21] =	ssyncadd.s32 $0xFFFFE000  }
0x157: {  	[hbm4b:s31+s2] =	stream.linear.scatter [tilespmem:s18], [sflag:$0x5], $0x2000, $0x38;
	[tilespmem:$0x8400] =	vst v63  }
0x158: {  	_ =	swait.ge [sflag:s5], $0x2000  }
0x159: {  	[sflag:s5] =	ssyncset.done $0x0  }
0x15a: {  	[sflag:s5] =	ssyncadd.s32 $0xFFFFE000  }
0x15b: {  	_ =	swait.ge [sflag:s17], $0x2000  }
0x15c: {  	[sflag:s17] =	ssyncset.done $0x0  }
0x15d: {  	s1 =	rddreg [dreg:$0x7];
	[sflag:s17] =	ssyncadd.s32 $0xFFFFE000  }
0x15e: {  	[hbm4b:s1+s2] =	stream.linear.scatter [tilespmem:s16], [sflag:$0x5], $0x2000, $0x38;
	[tilespmem:$0x8400] =	vst v63  }
0x15f: {  	_ =	swait.ge [sflag:s5], $0x2000  }
0x160: {  	[sflag:s5] =	ssyncset.done $0x0  }
0x161: {  	[sflag:s5] =	ssyncadd.s32 $0xFFFFE000  }
0x162: {  	_ =	swait.ge [sflag:s15], $0x2000  }
0x163: {  	[sflag:s15] =	ssyncset.done $0x0  }
0x164: {  	s31 =	rddreg [dreg:$0x8];
	[sflag:s15] =	ssyncadd.s32 $0xFFFFE000  }
0x165: {  	[hbm4b:s31+s2] =	stream.linear.scatter [tilespmem:s12], [sflag:$0x5], $0x2000, $0x38;
	[tilespmem:$0x8400] =	vst v63  }
0x166: {  	_ =	swait.ge [sflag:s5], $0x2000  }
0x167: {  	[sflag:s5] =	ssyncset.done $0x0  }
0x168: {  	[sflag:s5] =	ssyncadd.s32 $0xFFFFE000  }
0x169: {  	_ =	swait.ge [sflag:s13], $0x2000  }
0x16a: {  	[sflag:s13] =	ssyncset.done $0x0  }
0x16b: {  	s1 =	rddreg [dreg:$0x9];
	[sflag:s13] =	ssyncadd.s32 $0xFFFFE000  }
0x16c: {  	[hbm4b:s1+s2] =	stream.linear.scatter [tilespmem:s10], [sflag:$0x5], $0x2000, $0x38;
	[tilespmem:$0x8400] =	vst v63  }
0x16d: {  	_ =	swait.ge [sflag:s5], $0x2000  }
0x16e: {  	[sflag:s5] =	ssyncset.done $0x0  }
0x16f: {  	[sflag:s5] =	ssyncadd.s32 $0xFFFFE000  }
0x170: {  	[tilespmem:s18], [sflag:$0x1] =	stream.indirect.gather [hbm4b:s3+s20], $0x40, s20, s20, $0xb8;
	[tilespmem:$0x8400] =	vst v63  }
0x171: {  	_ = 	snop  }
0x172: {  	[tilespmem:s16], [sflag:$0x2] =	stream.indirect.gather [hbm4b:s4+s20], $0x40, s30, s20, $0xb8;
	[tilespmem:$0x8400] =	vst v63  }
0x173: {  	_ = 	snop  }
0x174: {  	[tilespmem:s12], [sflag:$0x3] =	stream.indirect.gather [hbm4b:s7+s20], $0x40, s20, s20, $0xb8;
	[tilespmem:$0x8400] =	vst v63  }
0x175: {  	_ = 	snop  }
0x176: {  	[tilespmem:s10], [sflag:$0x4] =	stream.indirect.gather [hbm4b:s8+s20], $0x40, s30, s20, $0xb8;
	[tilespmem:$0x8400] =	vst v63  }
0x177: {  	_ =	swait.ge [sflag:s21], $0x2000  }
0x178: {  	[sflag:s21] =	ssyncset.done $0x0  }
0x179: {  	s30 =	rddreg [dreg:$0xa];
	[sflag:s21] =	ssyncadd.s32 $0xFFFFE000  }
0x17a: {  	[hbm4b:s30+s2] =	stream.linear.scatter [tilespmem:s18], [sflag:$0x5], $0x2000, $0x38;
	[tilespmem:$0x8400] =	vst v63  }
0x17b: {  	_ =	swait.ge [sflag:s5], $0x2000  }
0x17c: {  	[sflag:s5] =	ssyncset.done $0x0  }
0x17d: {  	[sflag:s5] =	ssyncadd.s32 $0xFFFFE000  }
0x17e: {  	_ =	swait.ge [sflag:s17], $0x2000  }
0x17f: {  	[sflag:s17] =	ssyncset.done $0x0  }
0x180: {  	s31 =	rddreg [dreg:$0xb];
	[sflag:s17] =	ssyncadd.s32 $0xFFFFE000  }
0x181: {  	[hbm4b:s31+s2] =	stream.linear.scatter [tilespmem:s16], [sflag:$0x5], $0x2000, $0x38;
	[tilespmem:$0x8400] =	vst v63  }
0x182: {  	_ =	swait.ge [sflag:s5], $0x2000  }
0x183: {  	[sflag:s5] =	ssyncset.done $0x0  }
0x184: {  	[sflag:s5] =	ssyncadd.s32 $0xFFFFE000  }
0x185: {  	_ =	swait.ge [sflag:s15], $0x2000  }
0x186: {  	[sflag:s15] =	ssyncset.done $0x0  }
0x187: {  	s1 =	rddreg [dreg:$0xc];
	[sflag:s15] =	ssyncadd.s32 $0xFFFFE000  }
0x188: {  	[hbm4b:s1+s2] =	stream.linear.scatter [tilespmem:s12], [sflag:$0x5], $0x2000, $0x38;
	[tilespmem:$0x8400] =	vst v63  }
0x189: {  	_ =	swait.ge [sflag:s5], $0x2000  }
0x18a: {  	[sflag:s5] =	ssyncset.done $0x0  }
0x18b: {  	[sflag:s5] =	ssyncadd.s32 $0xFFFFE000  }
0x18c: {  	_ =	swait.ge [sflag:s13], $0x2000  }
0x18d: {  	[sflag:s13] =	ssyncset.done $0x0  }
0x18e: {  	s30 =	rddreg [dreg:$0xd];
	[sflag:s13] =	ssyncadd.s32 $0xFFFFE000  }
0x18f: {  	[hbm4b:s30+s2] =	stream.linear.scatter [tilespmem:s10], [sflag:$0x5], $0x2000, $0x38;
	[tilespmem:$0x8400] =	vst v63  }
0x190: {  	_ =	swait.ge [sflag:s5], $0x2000  }
0x191: {  	[sflag:s5] =	ssyncset.done $0x0  }
0x192: {  	[sflag:s5] =	ssyncadd.s32 $0xFFFFE000  }
0x193: {  	[tilespmem:s18], [sflag:$0x1] =	stream.indirect.gather [hbm4b:s3+s20], $0x40, s28, s20, $0xb8;
	[tilespmem:$0x8400] =	vst v63  }
0x194: {  	_ = 	snop  }
0x195: {  	[tilespmem:s16], [sflag:$0x2] =	stream.indirect.gather [hbm4b:s4+s20], $0x40, s29, s20, $0xb8;
	[tilespmem:$0x8400] =	vst v63  }
0x196: {  	_ = 	snop  }
0x197: {  	[tilespmem:s12], [sflag:$0x3] =	stream.indirect.gather [hbm4b:s7+s20], $0x40, s28, s20, $0xb8;
	[tilespmem:$0x8400] =	vst v63  }
0x198: {  	_ = 	snop  }
0x199: {  	[tilespmem:s10], [sflag:$0x4] =	stream.indirect.gather [hbm4b:s8+s20], $0x40, s29, s20, $0xb8;
	[tilespmem:$0x8400] =	vst v63  }
0x19a: {  	_ =	swait.ge [sflag:s21], $0x2000  }
0x19b: {  	[sflag:s21] =	ssyncset.done $0x0  }
0x19c: {  	[sflag:s21] =	ssyncadd.s32 $0xFFFFE000  }
0x19d: {  	[hbm4b:s24+s2] =	stream.linear.scatter [tilespmem:s18], [sflag:$0x5], $0x2000, $0x38;
	[tilespmem:$0x8400] =	vst v63  }
0x19e: {  	_ =	swait.ge [sflag:s5], $0x2000  }
0x19f: {  	[sflag:s5] =	ssyncset.done $0x0  }
0x1a0: {  	[sflag:s5] =	ssyncadd.s32 $0xFFFFE000  }
0x1a1: {  	_ =	swait.ge [sflag:s17], $0x2000  }
0x1a2: {  	[sflag:s17] =	ssyncset.done $0x0  }
0x1a3: {  	[sflag:s17] =	ssyncadd.s32 $0xFFFFE000  }
0x1a4: {  	[hbm4b:s23+s2] =	stream.linear.scatter [tilespmem:s16], [sflag:$0x5], $0x2000, $0x38;
	[tilespmem:$0x8400] =	vst v63  }
0x1a5: {  	_ =	swait.ge [sflag:s5], $0x2000  }
0x1a6: {  	[sflag:s5] =	ssyncset.done $0x0  }
0x1a7: {  	[sflag:s5] =	ssyncadd.s32 $0xFFFFE000  }
0x1a8: {  	_ =	swait.ge [sflag:s15], $0x2000  }
0x1a9: {  	[sflag:s15] =	ssyncset.done $0x0  }
0x1aa: {  	[sflag:s15] =	ssyncadd.s32 $0xFFFFE000  }
0x1ab: {  	[hbm4b:s22+s2] =	stream.linear.scatter [tilespmem:s12], [sflag:$0x5], $0x2000, $0x38;
	[tilespmem:$0x8400] =	vst v63  }
0x1ac: {  	_ =	swait.ge [sflag:s5], $0x2000  }
0x1ad: {  	[sflag:s5] =	ssyncset.done $0x0  }
0x1ae: {  	[sflag:s5] =	ssyncadd.s32 $0xFFFFE000  }
0x1af: {  	_ =	swait.ge [sflag:s13], $0x2000  }
0x1b0: {  	[sflag:s13] =	ssyncset.done $0x0  }
0x1b1: {  	[sflag:s13] =	ssyncadd.s32 $0xFFFFE000  }
0x1b2: {  	[hbm4b:s19+s2] =	stream.linear.scatter [tilespmem:s10], [sflag:$0x5], $0x2000, $0x38;
	[tilespmem:$0x8400] =	vst v63  }
0x1b3: {  	_ =	swait.ge [sflag:s5], $0x2000  }
0x1b4: {  	[sflag:s5] =	ssyncset.done $0x0  }
0x1b5: {  	[sflag:s5] =	ssyncadd.s32 $0xFFFFE000  }
0x1b6: {  	[tilespmem:s18], [sflag:$0x1] =	stream.indirect.gather [hbm4b:s3+s20], $0x40, s25, s20, $0xb8;
	[tilespmem:$0x8400] =	vst v63  }
0x1b7: {  	_ = 	snop  }
0x1b8: {  	[tilespmem:s16], [sflag:$0x2] =	stream.indirect.gather [hbm4b:s4+s20], $0x40, s26, s20, $0xb8;
	[tilespmem:$0x8400] =	vst v63  }
0x1b9: {  	_ = 	snop  }
0x1ba: {  	[tilespmem:s12], [sflag:$0x3] =	stream.indirect.gather [hbm4b:s7+s20], $0x40, s25, s20, $0xb8;
	[tilespmem:$0x8400] =	vst v63  }
0x1bb: {  	_ = 	snop  }
0x1bc: {  	[tilespmem:s10], [sflag:$0x4] =	stream.indirect.gather [hbm4b:s8+s20], $0x40, s26, s20, $0xb8;
	[tilespmem:$0x8400] =	vst v63  }
0x1bd: {  	_ =	swait.ge [sflag:s21], $0x2000  }
0x1be: {  	[sflag:s21] =	ssyncset.done $0x0  }
0x1bf: {  	[sflag:s21] =	ssyncadd.s32 $0xFFFFE000  }
0x1c0: {  	[hbm4b:s14+s2] =	stream.linear.scatter [tilespmem:s18], [sflag:$0x5], $0x2000, $0x38;
	[tilespmem:$0x8400] =	vst v63  }
0x1c1: {  	_ =	swait.ge [sflag:s5], $0x2000  }
0x1c2: {  	[sflag:s5] =	ssyncset.done $0x0  }
0x1c3: {  	[sflag:s5] =	ssyncadd.s32 $0xFFFFE000  }
0x1c4: {  	_ =	swait.ge [sflag:s17], $0x2000  }
0x1c5: {  	[sflag:s17] =	ssyncset.done $0x0  }
0x1c6: {  	[sflag:s17] =	ssyncadd.s32 $0xFFFFE000  }
0x1c7: {  	[hbm4b:s11+s2] =	stream.linear.scatter [tilespmem:s16], [sflag:$0x5], $0x2000, $0x38;
	[tilespmem:$0x8400] =	vst v63  }
0x1c8: {  	_ =	swait.ge [sflag:s5], $0x2000  }
0x1c9: {  	[sflag:s5] =	ssyncset.done $0x0  }
0x1ca: {  	[sflag:s5] =	ssyncadd.s32 $0xFFFFE000  }
0x1cb: {  	_ =	swait.ge [sflag:s15], $0x2000  }
0x1cc: {  	[sflag:s15] =	ssyncset.done $0x0  }
0x1cd: {  	[sflag:s15] =	ssyncadd.s32 $0xFFFFE000  }
0x1ce: {  	[hbm4b:s9+s2] =	stream.linear.scatter [tilespmem:s12], [sflag:$0x5], $0x2000, $0x38;
	[tilespmem:$0x8400] =	vst v63  }
0x1cf: {  	_ =	swait.ge [sflag:s5], $0x2000  }
0x1d0: {  	[sflag:s5] =	ssyncset.done $0x0  }
0x1d1: {  	[sflag:s5] =	ssyncadd.s32 $0xFFFFE000  }
0x1d2: {  	_ =	swait.ge [sflag:s13], $0x2000  }
0x1d3: {  	[sflag:s13] =	ssyncset.done $0x0  }
0x1d4: {  	[sflag:s13] =	ssyncadd.s32 $0xFFFFE000  }
0x1d5: {  	[hbm4b:s6+s2] =	stream.linear.scatter [tilespmem:s10], [sflag:$0x5], $0x2000, $0x38;
	[tilespmem:$0x8400] =	vst v63  }
0x1d6: {  	_ =	swait.ge [sflag:s5], $0x2000  }
0x1d7: {  	[sflag:s5] =	ssyncset.done $0x0  }
0x1d8: {  	[sflag:s5] =	ssyncadd.s32 $0xFFFFE000  }
0x1d9: {  	_ =	sfence.sel $0x180000  }
0x1da: {  	[bflag:$0x0] =	sbarrier.arrive $0xFFFF  }
0x1db: {  	_ =	strace $0x90000047  }
0x1dc: {  	s31 =	stileid.u32;
	[bflag:$0x2] =	sbarrier.arrive $0xFFFF  }
0x1dd: {  	p0 =	sne.s32 s31, $0x0;
	s0 =	rddreg [dreg:$0x3]  }
0x1de: {  	s0 =	sadd.s32 @!p0 $0x100000, s0  }
0x1df: {  	[sflag:s0] =	ssyncadd.tile.s32 @!p0 $0x1;
	_ =	shalt  }
.Lfunc_end2:
_tile_overlayer_lowered:
.L_overlay_start_2:
0x1e0: {  	(tag) =	ssettag $0x2  }
0x1e1: {  	s0 =	rddreg [dreg:$0x0];
	s2 =	stileid.u32  }
0x1e2: {  	s1 =	rddreg [dreg:$0x1];
	p0 =	sne.s32 s2, $0x0  }
0x1e3: {  	s3 =	rddreg [dreg:$0x2];
	[bflag:$0x3] =	sbarrier.arrive $0xFFFF;
	s2 =	simm.s32 @!p0 $0x1C05  }
0x1e4: {  	[timem:s3], [sflag:s2] =	dma.local @!p0 [hbm:s0], s1  }
0x1e5: {  	s0 =	simm.s32 @!p0 $0x5  }
0x1e6: {  	_ =	swait.ge @!p0 [sflag:s0], s1  }
0x1e7: {  	s1 =	ssub.s32 @!p0 $0x0, s1;
	[sflag:s0] =	ssyncset.done @!p0 $0x0  }
0x1e8: {  	[sflag:s0] =	ssyncadd.s32 @!p0 s1  }
0x1e9: {  	[bflag:$0x3] =	sbarrier.arrive $0xFFFF  }
0x1ea: {  	_ =	shalt  }

</sc_bundles>
